<compile_context>
chip_gen: v7x
topology: tpu7x:2x2x1
jax: 0.10.2.dev20260603
libtpu: 0.0.44.dev20260713+nightly
codegen_flags: <defaults>
</compile_context>

<pallas_src>
import functools

import jax
import jax.numpy as jnp
from jax import lax
from jax.experimental import pallas as pl
from jax.experimental.pallas import tpu as pltpu
from jax.experimental.pallas import tpu_sc as plsc

N_NODES = 10000
N_EDGES = 320000
D = 128

NC = 2
NS = 16
CHUNK = 128
KT = -(-N_EDGES // (NS * CHUNK))
KA = 102
KB = KT - KA
KM = max(KA, KB)
E_PAD = NS * KT * CHUNK
EA = NS * KA * CHUNK
ACC_ROWS = 10112
RPS = ACC_ROWS // NS


def _sc_aggregate(x, srcA, dstA, srcB, dstB, zeros):
    mesh = plsc.VectorSubcoreMesh(core_axis_name="c", subcore_axis_name="s")

    @functools.partial(
        pl.kernel,
        out_type=jax.ShapeDtypeStruct((NC * ACC_ROWS, D), jnp.float32),
        mesh=mesh,
        scratch_types=[
            pltpu.VMEM((KM, CHUNK), jnp.int32),
            pltpu.VMEM((KM, CHUNK), jnp.int32),
            pltpu.VMEM((CHUNK, D), jnp.float32),
            pltpu.VMEM_SHARED((ACC_ROWS, D), jnp.float32),
            pltpu.SemaphoreType.DMA,
        ],
    )
    def agg_kernel(x_hbm, srcA_hbm, dstA_hbm, srcB_hbm, dstB_hbm, zeros_hbm,
                   out_hbm, src_v, dst_v, rows_v, acc_sh, sem):
        c = lax.axis_index("c")
        s = lax.axis_index("s")

        @pl.when(c == 0)
        def _():
            pltpu.sync_copy(srcA_hbm.at[s], src_v.at[pl.ds(0, KA)])
            pltpu.sync_copy(dstA_hbm.at[s], dst_v.at[pl.ds(0, KA)])

        @pl.when(c == 1)
        def _():
            pltpu.sync_copy(srcB_hbm.at[s], src_v.at[pl.ds(0, KB)])
            pltpu.sync_copy(dstB_hbm.at[s], dst_v.at[pl.ds(0, KB)])

        pltpu.sync_copy(zeros_hbm, acc_sh.at[pl.ds(s * RPS, RPS)])
        plsc.subcore_barrier()

        def body(j, carry):
            pltpu.async_copy(x_hbm.at[src_v.at[j]], rows_v, sem).wait()
            pltpu.sync_copy(rows_v, acc_sh.at[dst_v.at[j]], add=True)
            return carry

        kc = lax.select(c == 0, jnp.int32(KA), jnp.int32(KB))
        lax.fori_loop(0, kc, body, 0)
        plsc.subcore_barrier()

        row0 = c * ACC_ROWS + s * RPS
        pltpu.sync_copy(acc_sh.at[pl.ds(s * RPS, RPS)], out_hbm.at[pl.ds(row0, RPS)])

    return agg_kernel(x, srcA, dstA, srcB, dstB, zeros)


def _tc_layer1(aggp, x, WlT, bl, WrT):
    def body(aggp_ref, x_ref, wl_ref, bl_ref, wr_ref, out_ref):
        agg = aggp_ref[:N_NODES, :] + aggp_ref[ACC_ROWS:ACC_ROWS + N_NODES, :]
        r = (jnp.dot(agg, wl_ref[...], preferred_element_type=jnp.float32)
             + bl_ref[...]
             + jnp.dot(x_ref[...], wr_ref[...], preferred_element_type=jnp.float32))
        out_ref[...] = jnp.maximum(r, 0.0)

    return pl.pallas_call(
        body,
        out_shape=jax.ShapeDtypeStruct((N_NODES, D), jnp.float32),
    )(aggp, x, WlT, bl, WrT)


def _tc_layer2(aggp, h, WlT, bl, WrT, WlinT, blin):
    def body(aggp_ref, h_ref, wl_ref, bl_ref, wr_ref, wlin_ref, blin_ref, out_ref):
        agg = aggp_ref[:N_NODES, :] + aggp_ref[ACC_ROWS:ACC_ROWS + N_NODES, :]
        r = (jnp.dot(agg, wl_ref[...], preferred_element_type=jnp.float32)
             + bl_ref[...]
             + jnp.dot(h_ref[...], wr_ref[...], preferred_element_type=jnp.float32))
        h2 = jnp.maximum(r, 0.0)
        out_ref[...] = (jnp.dot(h2, wlin_ref[...], preferred_element_type=jnp.float32)
                        + blin_ref[...])

    return pl.pallas_call(
        body,
        out_shape=jax.ShapeDtypeStruct((N_NODES, D), jnp.float32),
    )(aggp, h, WlT, bl, WrT, WlinT, blin)


def kernel(x, edge_index, Wl1, bl1, Wr1, Wl2, bl2, Wr2, Wlin, blin):
    src = edge_index[0].astype(jnp.int32)
    dst = edge_index[1].astype(jnp.int32)
    pad = E_PAD - N_EDGES
    src_p = jnp.concatenate([src, jnp.zeros((pad,), jnp.int32)])
    dst_p = jnp.concatenate([dst, jnp.full((pad,), N_NODES, jnp.int32)])
    srcA = src_p[:EA].reshape(NS, KA, CHUNK)
    dstA = dst_p[:EA].reshape(NS, KA, CHUNK)
    srcB = src_p[EA:].reshape(NS, KB, CHUNK)
    dstB = dst_p[EA:].reshape(NS, KB, CHUNK)
    zeros = jnp.zeros((RPS, D), jnp.float32)

    aggp1 = _sc_aggregate(x, srcA, dstA, srcB, dstB, zeros)
    h1 = _tc_layer1(aggp1, x, Wl1.T, bl1.reshape(1, D), Wr1.T)
    aggp2 = _sc_aggregate(h1, srcA, dstA, srcB, dstB, zeros)
    out = _tc_layer2(aggp2, h1, Wl2.T, bl2.reshape(1, D), Wr2.T,
                     Wlin.T, blin.reshape(1, D))
    return out

# --- scband reference (transcript-rebuilt; emitter-appended) ---
"""Pipeline reference for scband-graph-sage-5403068858513 (READ-ONLY COPY).

The authoritative reference and input builder live on the scoring server;
editing this copy changes nothing except your own understanding.
"""

import jax, jax.numpy as jnp
import numpy as np

N_NODES = 10000
N_EDGES = 320000
D_FEAT = 128
HIDDEN = 128
OUT = 128


def setup_inputs(seed: int = 0) -> dict:
    key = jax.random.key(seed)
    ks = jax.random.split(key, 12)
    x = jax.random.normal(ks[0], (N_NODES, D_FEAT), dtype=jnp.float32)
    edge_index = jax.random.randint(ks[1], (2, N_EDGES), 0, N_NODES, dtype=jnp.int64)
    s1 = 1.0 / np.sqrt(D_FEAT)
    s2 = 1.0 / np.sqrt(HIDDEN)
    # SAGEConv layer 1: lin_l (neighbor, with bias), lin_r (root, no bias)
    Wl1 = jax.random.uniform(ks[2], (HIDDEN, D_FEAT), jnp.float32, -s1, s1)
    bl1 = jax.random.uniform(ks[3], (HIDDEN,), jnp.float32, -s1, s1)
    Wr1 = jax.random.uniform(ks[4], (HIDDEN, D_FEAT), jnp.float32, -s1, s1)
    # SAGEConv layer 2
    Wl2 = jax.random.uniform(ks[5], (HIDDEN, HIDDEN), jnp.float32, -s2, s2)
    bl2 = jax.random.uniform(ks[6], (HIDDEN,), jnp.float32, -s2, s2)
    Wr2 = jax.random.uniform(ks[7], (HIDDEN, HIDDEN), jnp.float32, -s2, s2)
    # final Linear
    Wlin = jax.random.uniform(ks[8], (OUT, HIDDEN), jnp.float32, -s2, s2)
    blin = jax.random.uniform(ks[9], (OUT,), jnp.float32, -s2, s2)
    return {"x": x, "edge_index": edge_index,
            "Wl1": Wl1, "bl1": bl1, "Wr1": Wr1,
            "Wl2": Wl2, "bl2": bl2, "Wr2": Wr2,
            "Wlin": Wlin, "blin": blin}


def _sage_conv(x, edge_index, Wl, bl, Wr):
    src = edge_index[0]
    dst = edge_index[1]
    msgs = jnp.take(x, src, axis=0)                       # gather (SparseCore)
    agg = jax.ops.segment_sum(msgs, dst, num_segments=N_NODES)  # scatter-add ('add' aggr)
    return agg @ Wl.T + bl + x @ Wr.T


def reference(x, edge_index, Wl1, bl1, Wr1, Wl2, bl2, Wr2, Wlin, blin):
    h = jax.nn.relu(_sage_conv(x, edge_index, Wl1, bl1, Wr1))
    h = jax.nn.relu(_sage_conv(h, edge_index, Wl2, bl2, Wr2))
    out = h @ Wlin.T + blin
    return out

if __name__ == "__main__":
    import jax
    _d = setup_inputs()
    print(jax.jit(kernel)(*tuple(_d.values())))

</pallas_src>

<mosaic_0001>
#map = affine_map<(d0, d1) -> (0, 0)>
#map1 = affine_map<(d0, d1) -> (0, 0, 0)>
module attributes {stable_mosaic.version = 14 : i64} {
  func.func @agg_kernel(%arg0: i32, %arg1: i32, %arg2: memref<10000x128xf32, #tpu.memory_space<hbm>>, %arg3: memref<16x102x128xi32, #tpu.memory_space<hbm>>, %arg4: memref<16x102x128xi32, #tpu.memory_space<hbm>>, %arg5: memref<16x55x128xi32, #tpu.memory_space<hbm>>, %arg6: memref<16x55x128xi32, #tpu.memory_space<hbm>>, %arg7: memref<632x128xf32, #tpu.memory_space<hbm>>, %arg8: memref<20224x128xf32, #tpu.memory_space<hbm>>, %arg9: memref<102x128xi32, #tpu.memory_space<vmem>>, %arg10: memref<102x128xi32, #tpu.memory_space<vmem>>, %arg11: memref<128x128xf32, #tpu.memory_space<vmem>>, %arg12: memref<10112x128xf32, #tpu.memory_space<vmem_shared>>, %arg13: memref<!tpu.dma_semaphore, #tpu.memory_space<semaphore_mem>>) attributes {dimension_semantics = [#tpu.dimension_semantics<core_parallel>, #tpu.dimension_semantics<subcore_parallel>], iteration_bounds = array<i64: 2, 16>, scalar_prefetch = 0 : i64, scratch_operands = 5 : i64, tpu.core_type = #tpu.core_type<sc_vector_subcore>, window_params = [{transform_indices = #map}, {transform_indices = #map1}, {transform_indices = #map1}, {transform_indices = #map1}, {transform_indices = #map1}, {transform_indices = #map}, {transform_indices = #map}]} {
    %eq3A = arith.constant 0 : i32
    %eq3A_0 = arith.cmpi eq, %arg0, %eq3A : i32
    %convert_element_type3A = arith.extui %eq3A_0 : i1 to i32
    %cond3A = arith.constant 0 : i32
    %cond3A_1 = arith.cmpi ne, %convert_element_type3A, %cond3A : i32
    scf.if %cond3A_1 {
      "tpu.region"() ({
        %run_scoped3A = tpu.sem_alloc : memref<!tpu.dma_semaphore, #tpu.memory_space<semaphore_mem>>
        %dma_start3A = arith.constant 0 : i32
        %dma_start3A_28 = arith.constant 0 : i32
        %dma_start3A_29 = tpu.memref_slice %arg9[%dma_start3A, %dma_start3A_28] : memref<102x128xi32, #tpu.memory_space<vmem>> -> memref<102x128xi32, #tpu.memory_space<vmem>>
        %dma_start3A_30 = arith.constant 0 : i32
        %dma_start3A_31 = arith.constant 0 : i32
        %dma_start3A_32 = tpu.memref_slice %arg3[%arg1, %dma_start3A_30, %dma_start3A_31] : memref<16x102x128xi32, #tpu.memory_space<hbm>> -> memref<1x102x128xi32, #tpu.memory_space<hbm>>
        %dma_start3A_33 = tpu.memref_squeeze %dma_start3A_32 : memref<1x102x128xi32, #tpu.memory_space<hbm>> -> memref<102x128xi32, #tpu.memory_space<hbm>>
        %dma_start3A_34 = arith.constant 0 : i32
        %dma_start3A_35 = arith.constant 0 : i32
        %dma_start3A_36 = tpu.memref_slice %arg9[%dma_start3A_34, %dma_start3A_35] : memref<102x128xi32, #tpu.memory_space<vmem>> -> memref<102x128xi32, #tpu.memory_space<vmem>>
        %dma_start3A_37 = arith.constant 0 : i32
        %dma_start3A_38 = arith.constant 0 : i32
        %dma_start3A_39 = tpu.memref_slice %arg3[%arg1, %dma_start3A_37, %dma_start3A_38] : memref<16x102x128xi32, #tpu.memory_space<hbm>> -> memref<1x102x128xi32, #tpu.memory_space<hbm>>
        %dma_start3A_40 = tpu.memref_squeeze %dma_start3A_39 : memref<1x102x128xi32, #tpu.memory_space<hbm>> -> memref<102x128xi32, #tpu.memory_space<hbm>>
        tpu.enqueue_dma source(%dma_start3A_40 : memref<102x128xi32, #tpu.memory_space<hbm>>) target(%dma_start3A_36 : memref<102x128xi32, #tpu.memory_space<vmem>>) target_semaphore(%run_scoped3A : memref<!tpu.dma_semaphore, #tpu.memory_space<semaphore_mem>>)
        %dma_wait3A = arith.constant 0 : i32
        %dma_wait3A_41 = arith.constant 0 : i32
        %dma_wait3A_42 = tpu.memref_slice %arg9[%dma_wait3A, %dma_wait3A_41] : memref<102x128xi32, #tpu.memory_space<vmem>> -> memref<102x128xi32, #tpu.memory_space<vmem>>
        %dma_wait3A_43 = arith.constant 0 : i32
        %dma_wait3A_44 = arith.constant 0 : i32
        %dma_wait3A_45 = tpu.memref_slice %arg3[%arg1, %dma_wait3A_43, %dma_wait3A_44] : memref<16x102x128xi32, #tpu.memory_space<hbm>> -> memref<1x102x128xi32, #tpu.memory_space<hbm>>
        %dma_wait3A_46 = tpu.memref_squeeze %dma_wait3A_45 : memref<1x102x128xi32, #tpu.memory_space<hbm>> -> memref<102x128xi32, #tpu.memory_space<hbm>>
        %dma_wait3A_47 = arith.constant 0 : i32
        %dma_wait3A_48 = arith.constant 0 : i32
        %dma_wait3A_49 = tpu.memref_slice %arg9[%dma_wait3A_47, %dma_wait3A_48] : memref<102x128xi32, #tpu.memory_space<vmem>> -> memref<102x128xi32, #tpu.memory_space<vmem>>
        %dma_wait3A_50 = arith.constant 0 : i32
        %dma_wait3A_51 = arith.constant 0 : i32
        %dma_wait3A_52 = tpu.memref_slice %arg3[%arg1, %dma_wait3A_50, %dma_wait3A_51] : memref<16x102x128xi32, #tpu.memory_space<hbm>> -> memref<1x102x128xi32, #tpu.memory_space<hbm>>
        %dma_wait3A_53 = tpu.memref_squeeze %dma_wait3A_52 : memref<1x102x128xi32, #tpu.memory_space<hbm>> -> memref<102x128xi32, #tpu.memory_space<hbm>>
        tpu.wait_dma2 semaphore(%run_scoped3A : memref<!tpu.dma_semaphore, #tpu.memory_space<semaphore_mem>>) src(%dma_wait3A_53 : memref<102x128xi32, #tpu.memory_space<hbm>>) dst(%dma_wait3A_49 : memref<102x128xi32, #tpu.memory_space<vmem>>)
        tpu.yield
      }) : () -> ()
      "tpu.region"() ({
        %run_scoped3A = tpu.sem_alloc : memref<!tpu.dma_semaphore, #tpu.memory_space<semaphore_mem>>
        %dma_start3A = arith.constant 0 : i32
        %dma_start3A_28 = arith.constant 0 : i32
        %dma_start3A_29 = tpu.memref_slice %arg10[%dma_start3A, %dma_start3A_28] : memref<102x128xi32, #tpu.memory_space<vmem>> -> memref<102x128xi32, #tpu.memory_space<vmem>>
        %dma_start3A_30 = arith.constant 0 : i32
        %dma_start3A_31 = arith.constant 0 : i32
        %dma_start3A_32 = tpu.memref_slice %arg4[%arg1, %dma_start3A_30, %dma_start3A_31] : memref<16x102x128xi32, #tpu.memory_space<hbm>> -> memref<1x102x128xi32, #tpu.memory_space<hbm>>
        %dma_start3A_33 = tpu.memref_squeeze %dma_start3A_32 : memref<1x102x128xi32, #tpu.memory_space<hbm>> -> memref<102x128xi32, #tpu.memory_space<hbm>>
        %dma_start3A_34 = arith.constant 0 : i32
        %dma_start3A_35 = arith.constant 0 : i32
        %dma_start3A_36 = tpu.memref_slice %arg10[%dma_start3A_34, %dma_start3A_35] : memref<102x128xi32, #tpu.memory_space<vmem>> -> memref<102x128xi32, #tpu.memory_space<vmem>>
        %dma_start3A_37 = arith.constant 0 : i32
        %dma_start3A_38 = arith.constant 0 : i32
        %dma_start3A_39 = tpu.memref_slice %arg4[%arg1, %dma_start3A_37, %dma_start3A_38] : memref<16x102x128xi32, #tpu.memory_space<hbm>> -> memref<1x102x128xi32, #tpu.memory_space<hbm>>
        %dma_start3A_40 = tpu.memref_squeeze %dma_start3A_39 : memref<1x102x128xi32, #tpu.memory_space<hbm>> -> memref<102x128xi32, #tpu.memory_space<hbm>>
        tpu.enqueue_dma source(%dma_start3A_40 : memref<102x128xi32, #tpu.memory_space<hbm>>) target(%dma_start3A_36 : memref<102x128xi32, #tpu.memory_space<vmem>>) target_semaphore(%run_scoped3A : memref<!tpu.dma_semaphore, #tpu.memory_space<semaphore_mem>>)
        %dma_wait3A = arith.constant 0 : i32
        %dma_wait3A_41 = arith.constant 0 : i32
        %dma_wait3A_42 = tpu.memref_slice %arg10[%dma_wait3A, %dma_wait3A_41] : memref<102x128xi32, #tpu.memory_space<vmem>> -> memref<102x128xi32, #tpu.memory_space<vmem>>
        %dma_wait3A_43 = arith.constant 0 : i32
        %dma_wait3A_44 = arith.constant 0 : i32
        %dma_wait3A_45 = tpu.memref_slice %arg4[%arg1, %dma_wait3A_43, %dma_wait3A_44] : memref<16x102x128xi32, #tpu.memory_space<hbm>> -> memref<1x102x128xi32, #tpu.memory_space<hbm>>
        %dma_wait3A_46 = tpu.memref_squeeze %dma_wait3A_45 : memref<1x102x128xi32, #tpu.memory_space<hbm>> -> memref<102x128xi32, #tpu.memory_space<hbm>>
        %dma_wait3A_47 = arith.constant 0 : i32
        %dma_wait3A_48 = arith.constant 0 : i32
        %dma_wait3A_49 = tpu.memref_slice %arg10[%dma_wait3A_47, %dma_wait3A_48] : memref<102x128xi32, #tpu.memory_space<vmem>> -> memref<102x128xi32, #tpu.memory_space<vmem>>
        %dma_wait3A_50 = arith.constant 0 : i32
        %dma_wait3A_51 = arith.constant 0 : i32
        %dma_wait3A_52 = tpu.memref_slice %arg4[%arg1, %dma_wait3A_50, %dma_wait3A_51] : memref<16x102x128xi32, #tpu.memory_space<hbm>> -> memref<1x102x128xi32, #tpu.memory_space<hbm>>
        %dma_wait3A_53 = tpu.memref_squeeze %dma_wait3A_52 : memref<1x102x128xi32, #tpu.memory_space<hbm>> -> memref<102x128xi32, #tpu.memory_space<hbm>>
        tpu.wait_dma2 semaphore(%run_scoped3A : memref<!tpu.dma_semaphore, #tpu.memory_space<semaphore_mem>>) src(%dma_wait3A_53 : memref<102x128xi32, #tpu.memory_space<hbm>>) dst(%dma_wait3A_49 : memref<102x128xi32, #tpu.memory_space<vmem>>)
        tpu.yield
      }) : () -> ()
    } else {
    }
    %eq3A_2 = arith.constant 1 : i32
    %eq3A_3 = arith.cmpi eq, %arg0, %eq3A_2 : i32
    %convert_element_type3A_4 = arith.extui %eq3A_3 : i1 to i32
    %cond3A_5 = arith.constant 0 : i32
    %cond3A_6 = arith.cmpi ne, %convert_element_type3A_4, %cond3A_5 : i32
    scf.if %cond3A_6 {
      "tpu.region"() ({
        %run_scoped3A = tpu.sem_alloc : memref<!tpu.dma_semaphore, #tpu.memory_space<semaphore_mem>>
        %dma_start3A = arith.constant 0 : i32
        %dma_start3A_28 = arith.constant 0 : i32
        %dma_start3A_29 = tpu.memref_slice %arg9[%dma_start3A, %dma_start3A_28] : memref<102x128xi32, #tpu.memory_space<vmem>> -> memref<55x128xi32, #tpu.memory_space<vmem>>
        %dma_start3A_30 = arith.constant 0 : i32
        %dma_start3A_31 = arith.constant 0 : i32
        %dma_start3A_32 = tpu.memref_slice %arg5[%arg1, %dma_start3A_30, %dma_start3A_31] : memref<16x55x128xi32, #tpu.memory_space<hbm>> -> memref<1x55x128xi32, #tpu.memory_space<hbm>>
        %dma_start3A_33 = tpu.memref_squeeze %dma_start3A_32 : memref<1x55x128xi32, #tpu.memory_space<hbm>> -> memref<55x128xi32, #tpu.memory_space<hbm>>
        %dma_start3A_34 = arith.constant 0 : i32
        %dma_start3A_35 = arith.constant 0 : i32
        %dma_start3A_36 = tpu.memref_slice %arg9[%dma_start3A_34, %dma_start3A_35] : memref<102x128xi32, #tpu.memory_space<vmem>> -> memref<55x128xi32, #tpu.memory_space<vmem>>
        %dma_start3A_37 = arith.constant 0 : i32
        %dma_start3A_38 = arith.constant 0 : i32
        %dma_start3A_39 = tpu.memref_slice %arg5[%arg1, %dma_start3A_37, %dma_start3A_38] : memref<16x55x128xi32, #tpu.memory_space<hbm>> -> memref<1x55x128xi32, #tpu.memory_space<hbm>>
        %dma_start3A_40 = tpu.memref_squeeze %dma_start3A_39 : memref<1x55x128xi32, #tpu.memory_space<hbm>> -> memref<55x128xi32, #tpu.memory_space<hbm>>
        tpu.enqueue_dma source(%dma_start3A_40 : memref<55x128xi32, #tpu.memory_space<hbm>>) target(%dma_start3A_36 : memref<55x128xi32, #tpu.memory_space<vmem>>) target_semaphore(%run_scoped3A : memref<!tpu.dma_semaphore, #tpu.memory_space<semaphore_mem>>)
        %dma_wait3A = arith.constant 0 : i32
        %dma_wait3A_41 = arith.constant 0 : i32
        %dma_wait3A_42 = tpu.memref_slice %arg9[%dma_wait3A, %dma_wait3A_41] : memref<102x128xi32, #tpu.memory_space<vmem>> -> memref<55x128xi32, #tpu.memory_space<vmem>>
        %dma_wait3A_43 = arith.constant 0 : i32
        %dma_wait3A_44 = arith.constant 0 : i32
        %dma_wait3A_45 = tpu.memref_slice %arg5[%arg1, %dma_wait3A_43, %dma_wait3A_44] : memref<16x55x128xi32, #tpu.memory_space<hbm>> -> memref<1x55x128xi32, #tpu.memory_space<hbm>>
        %dma_wait3A_46 = tpu.memref_squeeze %dma_wait3A_45 : memref<1x55x128xi32, #tpu.memory_space<hbm>> -> memref<55x128xi32, #tpu.memory_space<hbm>>
        %dma_wait3A_47 = arith.constant 0 : i32
        %dma_wait3A_48 = arith.constant 0 : i32
        %dma_wait3A_49 = tpu.memref_slice %arg9[%dma_wait3A_47, %dma_wait3A_48] : memref<102x128xi32, #tpu.memory_space<vmem>> -> memref<55x128xi32, #tpu.memory_space<vmem>>
        %dma_wait3A_50 = arith.constant 0 : i32
        %dma_wait3A_51 = arith.constant 0 : i32
        %dma_wait3A_52 = tpu.memref_slice %arg5[%arg1, %dma_wait3A_50, %dma_wait3A_51] : memref<16x55x128xi32, #tpu.memory_space<hbm>> -> memref<1x55x128xi32, #tpu.memory_space<hbm>>
        %dma_wait3A_53 = tpu.memref_squeeze %dma_wait3A_52 : memref<1x55x128xi32, #tpu.memory_space<hbm>> -> memref<55x128xi32, #tpu.memory_space<hbm>>
        tpu.wait_dma2 semaphore(%run_scoped3A : memref<!tpu.dma_semaphore, #tpu.memory_space<semaphore_mem>>) src(%dma_wait3A_53 : memref<55x128xi32, #tpu.memory_space<hbm>>) dst(%dma_wait3A_49 : memref<55x128xi32, #tpu.memory_space<vmem>>)
        tpu.yield
      }) : () -> ()
      "tpu.region"() ({
        %run_scoped3A = tpu.sem_alloc : memref<!tpu.dma_semaphore, #tpu.memory_space<semaphore_mem>>
        %dma_start3A = arith.constant 0 : i32
        %dma_start3A_28 = arith.constant 0 : i32
        %dma_start3A_29 = tpu.memref_slice %arg10[%dma_start3A, %dma_start3A_28] : memref<102x128xi32, #tpu.memory_space<vmem>> -> memref<55x128xi32, #tpu.memory_space<vmem>>
        %dma_start3A_30 = arith.constant 0 : i32
        %dma_start3A_31 = arith.constant 0 : i32
        %dma_start3A_32 = tpu.memref_slice %arg6[%arg1, %dma_start3A_30, %dma_start3A_31] : memref<16x55x128xi32, #tpu.memory_space<hbm>> -> memref<1x55x128xi32, #tpu.memory_space<hbm>>
        %dma_start3A_33 = tpu.memref_squeeze %dma_start3A_32 : memref<1x55x128xi32, #tpu.memory_space<hbm>> -> memref<55x128xi32, #tpu.memory_space<hbm>>
        %dma_start3A_34 = arith.constant 0 : i32
        %dma_start3A_35 = arith.constant 0 : i32
        %dma_start3A_36 = tpu.memref_slice %arg10[%dma_start3A_34, %dma_start3A_35] : memref<102x128xi32, #tpu.memory_space<vmem>> -> memref<55x128xi32, #tpu.memory_space<vmem>>
        %dma_start3A_37 = arith.constant 0 : i32
        %dma_start3A_38 = arith.constant 0 : i32
        %dma_start3A_39 = tpu.memref_slice %arg6[%arg1, %dma_start3A_37, %dma_start3A_38] : memref<16x55x128xi32, #tpu.memory_space<hbm>> -> memref<1x55x128xi32, #tpu.memory_space<hbm>>
        %dma_start3A_40 = tpu.memref_squeeze %dma_start3A_39 : memref<1x55x128xi32, #tpu.memory_space<hbm>> -> memref<55x128xi32, #tpu.memory_space<hbm>>
        tpu.enqueue_dma source(%dma_start3A_40 : memref<55x128xi32, #tpu.memory_space<hbm>>) target(%dma_start3A_36 : memref<55x128xi32, #tpu.memory_space<vmem>>) target_semaphore(%run_scoped3A : memref<!tpu.dma_semaphore, #tpu.memory_space<semaphore_mem>>)
        %dma_wait3A = arith.constant 0 : i32
        %dma_wait3A_41 = arith.constant 0 : i32
        %dma_wait3A_42 = tpu.memref_slice %arg10[%dma_wait3A, %dma_wait3A_41] : memref<102x128xi32, #tpu.memory_space<vmem>> -> memref<55x128xi32, #tpu.memory_space<vmem>>
        %dma_wait3A_43 = arith.constant 0 : i32
        %dma_wait3A_44 = arith.constant 0 : i32
        %dma_wait3A_45 = tpu.memref_slice %arg6[%arg1, %dma_wait3A_43, %dma_wait3A_44] : memref<16x55x128xi32, #tpu.memory_space<hbm>> -> memref<1x55x128xi32, #tpu.memory_space<hbm>>
        %dma_wait3A_46 = tpu.memref_squeeze %dma_wait3A_45 : memref<1x55x128xi32, #tpu.memory_space<hbm>> -> memref<55x128xi32, #tpu.memory_space<hbm>>
        %dma_wait3A_47 = arith.constant 0 : i32
        %dma_wait3A_48 = arith.constant 0 : i32
        %dma_wait3A_49 = tpu.memref_slice %arg10[%dma_wait3A_47, %dma_wait3A_48] : memref<102x128xi32, #tpu.memory_space<vmem>> -> memref<55x128xi32, #tpu.memory_space<vmem>>
        %dma_wait3A_50 = arith.constant 0 : i32
        %dma_wait3A_51 = arith.constant 0 : i32
        %dma_wait3A_52 = tpu.memref_slice %arg6[%arg1, %dma_wait3A_50, %dma_wait3A_51] : memref<16x55x128xi32, #tpu.memory_space<hbm>> -> memref<1x55x128xi32, #tpu.memory_space<hbm>>
        %dma_wait3A_53 = tpu.memref_squeeze %dma_wait3A_52 : memref<1x55x128xi32, #tpu.memory_space<hbm>> -> memref<55x128xi32, #tpu.memory_space<hbm>>
        tpu.wait_dma2 semaphore(%run_scoped3A : memref<!tpu.dma_semaphore, #tpu.memory_space<semaphore_mem>>) src(%dma_wait3A_53 : memref<55x128xi32, #tpu.memory_space<hbm>>) dst(%dma_wait3A_49 : memref<55x128xi32, #tpu.memory_space<vmem>>)
        tpu.yield
      }) : () -> ()
    } else {
    }
    %mul3A = arith.constant 632 : i32
    %mul3A_7 = arith.muli %arg1, %mul3A : i32
    "tpu.region"() ({
      %run_scoped3A = tpu.sem_alloc : memref<!tpu.dma_semaphore, #tpu.memory_space<semaphore_mem>>
      %dma_start3A = arith.constant 0 : i32
      %dma_start3A_28 = tpu.memref_slice %arg12[%mul3A_7, %dma_start3A] : memref<10112x128xf32, #tpu.memory_space<vmem_shared>> -> memref<632x128xf32, #tpu.memory_space<vmem_shared>>
      tpu.enqueue_dma source(%arg7 : memref<632x128xf32, #tpu.memory_space<hbm>>) target(%dma_start3A_28 : memref<632x128xf32, #tpu.memory_space<vmem_shared>>) target_semaphore(%run_scoped3A : memref<!tpu.dma_semaphore, #tpu.memory_space<semaphore_mem>>)
      %dma_wait3A = arith.constant 0 : i32
      %dma_wait3A_29 = tpu.memref_slice %arg12[%mul3A_7, %dma_wait3A] : memref<10112x128xf32, #tpu.memory_space<vmem_shared>> -> memref<632x128xf32, #tpu.memory_space<vmem_shared>>
      tpu.wait_dma2 semaphore(%run_scoped3A : memref<!tpu.dma_semaphore, #tpu.memory_space<semaphore_mem>>) src(%arg7 : memref<632x128xf32, #tpu.memory_space<hbm>>) dst(%dma_wait3A_29 : memref<632x128xf32, #tpu.memory_space<vmem_shared>>)
      tpu.yield
    }) : () -> ()
    %barrier3A = arith.constant 0 : index
    tpu.barrier barrier_id(%barrier3A)
    %eq3A_8 = arith.constant 0 : i32
    %eq3A_9 = arith.cmpi eq, %arg0, %eq3A_8 : i32
    %select_n3A = arith.constant 55 : i32
    %select_n3A_10 = arith.constant 102 : i32
    %select_n3A_11 = arith.select %eq3A_9, %select_n3A_10, %select_n3A : i32
    %while3A = arith.constant 0 : i32
    %while3A_12 = arith.constant 0 : i32
    %while3A_13 = arith.subi %select_n3A_11, %while3A_12 : i32
    %while3A_14 = arith.addi %while3A_12, %while3A_13 : i32
    %while3A_15 = arith.constant 1 : i32
    %while3A_16 = arith.divsi %while3A_13, %while3A_15 : i32
    %while3A_17 = arith.muli %while3A_16, %while3A_15 : i32
    %while3A_18 = arith.addi %while3A_12, %while3A_17 : i32
    %while3A_19 = arith.constant 1 : i32
    scf.for %while3A_28 = %while3A_12 to %while3A_18 step %while3A_19  : i32 {
      %dma_start3A = arith.constant 0 : i32
      %dma_start3A_29 = tpu.memref_slice %arg9[%while3A_28, %dma_start3A] : memref<102x128xi32, #tpu.memory_space<vmem>> -> memref<1x128xi32, #tpu.memory_space<vmem>>
      %dma_start3A_30 = tpu.memref_squeeze %dma_start3A_29 : memref<1x128xi32, #tpu.memory_space<vmem>> -> memref<128xi32, #tpu.memory_space<vmem>>
      %dma_start3A_31 = arith.constant 0 : i32
      %dma_start3A_32 = arith.constant 0 : i32
      %dma_start3A_33 = tpu.memref_slice %arg2[%dma_start3A_31, %dma_start3A_32] : memref<10000x128xf32, #tpu.memory_space<hbm>> -> memref<10000x128xf32, #tpu.memory_space<hbm>>
      tpu.enqueue_indirect_dma source(%dma_start3A_33 : memref<10000x128xf32, #tpu.memory_space<hbm>>) target(%arg11 : memref<128x128xf32, #tpu.memory_space<vmem>>) offsets(%dma_start3A_30 : memref<128xi32, #tpu.memory_space<vmem>>) semaphore(%arg13 : memref<!tpu.dma_semaphore, #tpu.memory_space<semaphore_mem>>)
      %dma_wait3A = arith.constant 0 : i32
      %dma_wait3A_34 = tpu.memref_slice %arg9[%while3A_28, %dma_wait3A] : memref<102x128xi32, #tpu.memory_space<vmem>> -> memref<1x128xi32, #tpu.memory_space<vmem>>
      %dma_wait3A_35 = tpu.memref_squeeze %dma_wait3A_34 : memref<1x128xi32, #tpu.memory_space<vmem>> -> memref<128xi32, #tpu.memory_space<vmem>>
      %dma_wait3A_36 = arith.constant 0 : i32
      %dma_wait3A_37 = arith.constant 0 : i32
      %dma_wait3A_38 = tpu.memref_slice %arg2[%dma_wait3A_36, %dma_wait3A_37] : memref<10000x128xf32, #tpu.memory_space<hbm>> -> memref<10000x128xf32, #tpu.memory_space<hbm>>
      tpu.wait_indirect_dma semaphore(%arg13 : memref<!tpu.dma_semaphore, #tpu.memory_space<semaphore_mem>>) src(%dma_wait3A_38 : memref<10000x128xf32, #tpu.memory_space<hbm>>) dst(%arg11 : memref<128x128xf32, #tpu.memory_space<vmem>>)
      "tpu.region"() ({
        %run_scoped3A = tpu.sem_alloc : memref<!tpu.dma_semaphore, #tpu.memory_space<semaphore_mem>>
        %dma_start3A_39 = arith.constant 0 : i32
        %dma_start3A_40 = tpu.memref_slice %arg10[%while3A_28, %dma_start3A_39] : memref<102x128xi32, #tpu.memory_space<vmem>> -> memref<1x128xi32, #tpu.memory_space<vmem>>
        %dma_start3A_41 = tpu.memref_squeeze %dma_start3A_40 : memref<1x128xi32, #tpu.memory_space<vmem>> -> memref<128xi32, #tpu.memory_space<vmem>>
        %dma_start3A_42 = arith.constant 0 : i32
        %dma_start3A_43 = arith.constant 0 : i32
        %dma_start3A_44 = tpu.memref_slice %arg12[%dma_start3A_42, %dma_start3A_43] : memref<10112x128xf32, #tpu.memory_space<vmem_shared>> -> memref<10112x128xf32, #tpu.memory_space<vmem_shared>>
        tpu.enqueue_indirect_dma source(%arg11 : memref<128x128xf32, #tpu.memory_space<vmem>>) target(%dma_start3A_44 : memref<10112x128xf32, #tpu.memory_space<vmem_shared>>) offsets(%dma_start3A_41 : memref<128xi32, #tpu.memory_space<vmem>>) semaphore(%run_scoped3A : memref<!tpu.dma_semaphore, #tpu.memory_space<semaphore_mem>>) {add = true}
        %dma_wait3A_45 = arith.constant 0 : i32
        %dma_wait3A_46 = tpu.memref_slice %arg10[%while3A_28, %dma_wait3A_45] : memref<102x128xi32, #tpu.memory_space<vmem>> -> memref<1x128xi32, #tpu.memory_space<vmem>>
        %dma_wait3A_47 = tpu.memref_squeeze %dma_wait3A_46 : memref<1x128xi32, #tpu.memory_space<vmem>> -> memref<128xi32, #tpu.memory_space<vmem>>
        %dma_wait3A_48 = arith.constant 0 : i32
        %dma_wait3A_49 = arith.constant 0 : i32
        %dma_wait3A_50 = tpu.memref_slice %arg12[%dma_wait3A_48, %dma_wait3A_49] : memref<10112x128xf32, #tpu.memory_space<vmem_shared>> -> memref<10112x128xf32, #tpu.memory_space<vmem_shared>>
        tpu.wait_indirect_dma semaphore(%run_scoped3A : memref<!tpu.dma_semaphore, #tpu.memory_space<semaphore_mem>>) src(%arg11 : memref<128x128xf32, #tpu.memory_space<vmem>>) dst(%dma_wait3A_50 : memref<10112x128xf32, #tpu.memory_space<vmem_shared>>)
        tpu.yield
      }) : () -> ()
    }
    %while3A_20 = arith.constant 1 : i32
    scf.for %while3A_28 = %while3A_18 to %while3A_14 step %while3A_20  : i32 {
      %dma_start3A = arith.constant 0 : i32
      %dma_start3A_29 = tpu.memref_slice %arg9[%while3A_28, %dma_start3A] : memref<102x128xi32, #tpu.memory_space<vmem>> -> memref<1x128xi32, #tpu.memory_space<vmem>>
      %dma_start3A_30 = tpu.memref_squeeze %dma_start3A_29 : memref<1x128xi32, #tpu.memory_space<vmem>> -> memref<128xi32, #tpu.memory_space<vmem>>
      %dma_start3A_31 = arith.constant 0 : i32
      %dma_start3A_32 = arith.constant 0 : i32
      %dma_start3A_33 = tpu.memref_slice %arg2[%dma_start3A_31, %dma_start3A_32] : memref<10000x128xf32, #tpu.memory_space<hbm>> -> memref<10000x128xf32, #tpu.memory_space<hbm>>
      tpu.enqueue_indirect_dma source(%dma_start3A_33 : memref<10000x128xf32, #tpu.memory_space<hbm>>) target(%arg11 : memref<128x128xf32, #tpu.memory_space<vmem>>) offsets(%dma_start3A_30 : memref<128xi32, #tpu.memory_space<vmem>>) semaphore(%arg13 : memref<!tpu.dma_semaphore, #tpu.memory_space<semaphore_mem>>)
      %dma_wait3A = arith.constant 0 : i32
      %dma_wait3A_34 = tpu.memref_slice %arg9[%while3A_28, %dma_wait3A] : memref<102x128xi32, #tpu.memory_space<vmem>> -> memref<1x128xi32, #tpu.memory_space<vmem>>
      %dma_wait3A_35 = tpu.memref_squeeze %dma_wait3A_34 : memref<1x128xi32, #tpu.memory_space<vmem>> -> memref<128xi32, #tpu.memory_space<vmem>>
      %dma_wait3A_36 = arith.constant 0 : i32
      %dma_wait3A_37 = arith.constant 0 : i32
      %dma_wait3A_38 = tpu.memref_slice %arg2[%dma_wait3A_36, %dma_wait3A_37] : memref<10000x128xf32, #tpu.memory_space<hbm>> -> memref<10000x128xf32, #tpu.memory_space<hbm>>
      tpu.wait_indirect_dma semaphore(%arg13 : memref<!tpu.dma_semaphore, #tpu.memory_space<semaphore_mem>>) src(%dma_wait3A_38 : memref<10000x128xf32, #tpu.memory_space<hbm>>) dst(%arg11 : memref<128x128xf32, #tpu.memory_space<vmem>>)
      "tpu.region"() ({
        %run_scoped3A = tpu.sem_alloc : memref<!tpu.dma_semaphore, #tpu.memory_space<semaphore_mem>>
        %dma_start3A_39 = arith.constant 0 : i32
        %dma_start3A_40 = tpu.memref_slice %arg10[%while3A_28, %dma_start3A_39] : memref<102x128xi32, #tpu.memory_space<vmem>> -> memref<1x128xi32, #tpu.memory_space<vmem>>
        %dma_start3A_41 = tpu.memref_squeeze %dma_start3A_40 : memref<1x128xi32, #tpu.memory_space<vmem>> -> memref<128xi32, #tpu.memory_space<vmem>>
        %dma_start3A_42 = arith.constant 0 : i32
        %dma_start3A_43 = arith.constant 0 : i32
        %dma_start3A_44 = tpu.memref_slice %arg12[%dma_start3A_42, %dma_start3A_43] : memref<10112x128xf32, #tpu.memory_space<vmem_shared>> -> memref<10112x128xf32, #tpu.memory_space<vmem_shared>>
        tpu.enqueue_indirect_dma source(%arg11 : memref<128x128xf32, #tpu.memory_space<vmem>>) target(%dma_start3A_44 : memref<10112x128xf32, #tpu.memory_space<vmem_shared>>) offsets(%dma_start3A_41 : memref<128xi32, #tpu.memory_space<vmem>>) semaphore(%run_scoped3A : memref<!tpu.dma_semaphore, #tpu.memory_space<semaphore_mem>>) {add = true}
        %dma_wait3A_45 = arith.constant 0 : i32
        %dma_wait3A_46 = tpu.memref_slice %arg10[%while3A_28, %dma_wait3A_45] : memref<102x128xi32, #tpu.memory_space<vmem>> -> memref<1x128xi32, #tpu.memory_space<vmem>>
        %dma_wait3A_47 = tpu.memref_squeeze %dma_wait3A_46 : memref<1x128xi32, #tpu.memory_space<vmem>> -> memref<128xi32, #tpu.memory_space<vmem>>
        %dma_wait3A_48 = arith.constant 0 : i32
        %dma_wait3A_49 = arith.constant 0 : i32
        %dma_wait3A_50 = tpu.memref_slice %arg12[%dma_wait3A_48, %dma_wait3A_49] : memref<10112x128xf32, #tpu.memory_space<vmem_shared>> -> memref<10112x128xf32, #tpu.memory_space<vmem_shared>>
        tpu.wait_indirect_dma semaphore(%run_scoped3A : memref<!tpu.dma_semaphore, #tpu.memory_space<semaphore_mem>>) src(%arg11 : memref<128x128xf32, #tpu.memory_space<vmem>>) dst(%dma_wait3A_50 : memref<10112x128xf32, #tpu.memory_space<vmem_shared>>)
        tpu.yield
      }) : () -> ()
    }
    %barrier3A_21 = arith.constant 0 : index
    tpu.barrier barrier_id(%barrier3A_21)
    %mul3A_22 = arith.constant 10112 : i32
    %mul3A_23 = arith.muli %arg0, %mul3A_22 : i32
    %mul3A_24 = arith.constant 632 : i32
    %mul3A_25 = arith.muli %arg1, %mul3A_24 : i32
    %add3A = arith.addi %mul3A_23, %mul3A_25 : i32
    %mul3A_26 = arith.constant 632 : i32
    %mul3A_27 = arith.muli %arg1, %mul3A_26 : i32
    "tpu.region"() ({
      %run_scoped3A = tpu.sem_alloc : memref<!tpu.dma_semaphore, #tpu.memory_space<semaphore_mem>>
      %dma_start3A = arith.constant 0 : i32
      %dma_start3A_28 = tpu.memref_slice %arg8[%add3A, %dma_start3A] : memref<20224x128xf32, #tpu.memory_space<hbm>> -> memref<632x128xf32, #tpu.memory_space<hbm>>
      %dma_start3A_29 = arith.constant 0 : i32
      %dma_start3A_30 = tpu.memref_slice %arg12[%mul3A_27, %dma_start3A_29] : memref<10112x128xf32, #tpu.memory_space<vmem_shared>> -> memref<632x128xf32, #tpu.memory_space<vmem_shared>>
      tpu.enqueue_dma source(%dma_start3A_30 : memref<632x128xf32, #tpu.memory_space<vmem_shared>>) target(%dma_start3A_28 : memref<632x128xf32, #tpu.memory_space<hbm>>) target_semaphore(%run_scoped3A : memref<!tpu.dma_semaphore, #tpu.memory_space<semaphore_mem>>)
      %dma_wait3A = arith.constant 0 : i32
      %dma_wait3A_31 = tpu.memref_slice %arg8[%add3A, %dma_wait3A] : memref<20224x128xf32, #tpu.memory_space<hbm>> -> memref<632x128xf32, #tpu.memory_space<hbm>>
      %dma_wait3A_32 = arith.constant 0 : i32
      %dma_wait3A_33 = tpu.memref_slice %arg12[%mul3A_27, %dma_wait3A_32] : memref<10112x128xf32, #tpu.memory_space<vmem_shared>> -> memref<632x128xf32, #tpu.memory_space<vmem_shared>>
      tpu.wait_dma2 semaphore(%run_scoped3A : memref<!tpu.dma_semaphore, #tpu.memory_space<semaphore_mem>>) src(%dma_wait3A_33 : memref<632x128xf32, #tpu.memory_space<vmem_shared>>) dst(%dma_wait3A_31 : memref<632x128xf32, #tpu.memory_space<hbm>>)
      tpu.yield
    }) : () -> ()
    return
  }
}

#map = affine_map<(d0, d1) -> (0, 0)>
#map1 = affine_map<(d0, d1) -> (0, 0, 0)>
module attributes {stable_mosaic.version = 14 : i64} {
  func.func @agg_kernel(%arg0: i32, %arg1: i32, %arg2: memref<10000x128xf32, #tpu.memory_space<hbm>>, %arg3: memref<16x102x128xi32, #tpu.memory_space<hbm>>, %arg4: memref<16x102x128xi32, #tpu.memory_space<hbm>>, %arg5: memref<16x55x128xi32, #tpu.memory_space<hbm>>, %arg6: memref<16x55x128xi32, #tpu.memory_space<hbm>>, %arg7: memref<632x128xf32, #tpu.memory_space<hbm>>, %arg8: memref<20224x128xf32, #tpu.memory_space<hbm>>, %arg9: memref<102x128xi32, #tpu.memory_space<vmem>>, %arg10: memref<102x128xi32, #tpu.memory_space<vmem>>, %arg11: memref<128x128xf32, #tpu.memory_space<vmem>>, %arg12: memref<10112x128xf32, #tpu.memory_space<vmem_shared>>, %arg13: memref<!tpu.dma_semaphore, #tpu.memory_space<semaphore_mem>>) attributes {dimension_semantics = [#tpu.dimension_semantics<core_parallel>, #tpu.dimension_semantics<subcore_parallel>], iteration_bounds = array<i64: 2, 16>, scalar_prefetch = 0 : i64, scratch_operands = 5 : i64, tpu.core_type = #tpu.core_type<sc_vector_subcore>, window_params = [{transform_indices = #map}, {transform_indices = #map1}, {transform_indices = #map1}, {transform_indices = #map1}, {transform_indices = #map1}, {transform_indices = #map}, {transform_indices = #map}]} {
    %eq3A = arith.constant 0 : i32
    %eq3A_0 = arith.cmpi eq, %arg0, %eq3A : i32
    %convert_element_type3A = arith.extui %eq3A_0 : i1 to i32
    %cond3A = arith.constant 0 : i32
    %cond3A_1 = arith.cmpi ne, %convert_element_type3A, %cond3A : i32
    scf.if %cond3A_1 {
      "tpu.region"() ({
        %run_scoped3A = tpu.sem_alloc : memref<!tpu.dma_semaphore, #tpu.memory_space<semaphore_mem>>
        %dma_start3A = arith.constant 0 : i32
        %dma_start3A_28 = arith.constant 0 : i32
        %dma_start3A_29 = tpu.memref_slice %arg9[%dma_start3A, %dma_start3A_28] : memref<102x128xi32, #tpu.memory_space<vmem>> -> memref<102x128xi32, #tpu.memory_space<vmem>>
        %dma_start3A_30 = arith.constant 0 : i32
        %dma_start3A_31 = arith.constant 0 : i32
        %dma_start3A_32 = tpu.memref_slice %arg3[%arg1, %dma_start3A_30, %dma_start3A_31] : memref<16x102x128xi32, #tpu.memory_space<hbm>> -> memref<1x102x128xi32, #tpu.memory_space<hbm>>
        %dma_start3A_33 = tpu.memref_squeeze %dma_start3A_32 : memref<1x102x128xi32, #tpu.memory_space<hbm>> -> memref<102x128xi32, #tpu.memory_space<hbm>>
        %dma_start3A_34 = arith.constant 0 : i32
        %dma_start3A_35 = arith.constant 0 : i32
        %dma_start3A_36 = tpu.memref_slice %arg9[%dma_start3A_34, %dma_start3A_35] : memref<102x128xi32, #tpu.memory_space<vmem>> -> memref<102x128xi32, #tpu.memory_space<vmem>>
        %dma_start3A_37 = arith.constant 0 : i32
        %dma_start3A_38 = arith.constant 0 : i32
        %dma_start3A_39 = tpu.memref_slice %arg3[%arg1, %dma_start3A_37, %dma_start3A_38] : memref<16x102x128xi32, #tpu.memory_space<hbm>> -> memref<1x102x128xi32, #tpu.memory_space<hbm>>
        %dma_start3A_40 = tpu.memref_squeeze %dma_start3A_39 : memref<1x102x128xi32, #tpu.memory_space<hbm>> -> memref<102x128xi32, #tpu.memory_space<hbm>>
        tpu.enqueue_dma source(%dma_start3A_40 : memref<102x128xi32, #tpu.memory_space<hbm>>) target(%dma_start3A_36 : memref<102x128xi32, #tpu.memory_space<vmem>>) target_semaphore(%run_scoped3A : memref<!tpu.dma_semaphore, #tpu.memory_space<semaphore_mem>>)
        %dma_wait3A = arith.constant 0 : i32
        %dma_wait3A_41 = arith.constant 0 : i32
        %dma_wait3A_42 = tpu.memref_slice %arg9[%dma_wait3A, %dma_wait3A_41] : memref<102x128xi32, #tpu.memory_space<vmem>> -> memref<102x128xi32, #tpu.memory_space<vmem>>
        %dma_wait3A_43 = arith.constant 0 : i32
        %dma_wait3A_44 = arith.constant 0 : i32
        %dma_wait3A_45 = tpu.memref_slice %arg3[%arg1, %dma_wait3A_43, %dma_wait3A_44] : memref<16x102x128xi32, #tpu.memory_space<hbm>> -> memref<1x102x128xi32, #tpu.memory_space<hbm>>
        %dma_wait3A_46 = tpu.memref_squeeze %dma_wait3A_45 : memref<1x102x128xi32, #tpu.memory_space<hbm>> -> memref<102x128xi32, #tpu.memory_space<hbm>>
        %dma_wait3A_47 = arith.constant 0 : i32
        %dma_wait3A_48 = arith.constant 0 : i32
        %dma_wait3A_49 = tpu.memref_slice %arg9[%dma_wait3A_47, %dma_wait3A_48] : memref<102x128xi32, #tpu.memory_space<vmem>> -> memref<102x128xi32, #tpu.memory_space<vmem>>
        %dma_wait3A_50 = arith.constant 0 : i32
        %dma_wait3A_51 = arith.constant 0 : i32
        %dma_wait3A_52 = tpu.memref_slice %arg3[%arg1, %dma_wait3A_50, %dma_wait3A_51] : memref<16x102x128xi32, #tpu.memory_space<hbm>> -> memref<1x102x128xi32, #tpu.memory_space<hbm>>
        %dma_wait3A_53 = tpu.memref_squeeze %dma_wait3A_52 : memref<1x102x128xi32, #tpu.memory_space<hbm>> -> memref<102x128xi32, #tpu.memory_space<hbm>>
        tpu.wait_dma2 semaphore(%run_scoped3A : memref<!tpu.dma_semaphore, #tpu.memory_space<semaphore_mem>>) src(%dma_wait3A_53 : memref<102x128xi32, #tpu.memory_space<hbm>>) dst(%dma_wait3A_49 : memref<102x128xi32, #tpu.memory_space<vmem>>)
        tpu.yield
      }) : () -> ()
      "tpu.region"() ({
        %run_scoped3A = tpu.sem_alloc : memref<!tpu.dma_semaphore, #tpu.memory_space<semaphore_mem>>
        %dma_start3A = arith.constant 0 : i32
        %dma_start3A_28 = arith.constant 0 : i32
        %dma_start3A_29 = tpu.memref_slice %arg10[%dma_start3A, %dma_start3A_28] : memref<102x128xi32, #tpu.memory_space<vmem>> -> memref<102x128xi32, #tpu.memory_space<vmem>>
        %dma_start3A_30 = arith.constant 0 : i32
        %dma_start3A_31 = arith.constant 0 : i32
        %dma_start3A_32 = tpu.memref_slice %arg4[%arg1, %dma_start3A_30, %dma_start3A_31] : memref<16x102x128xi32, #tpu.memory_space<hbm>> -> memref<1x102x128xi32, #tpu.memory_space<hbm>>
        %dma_start3A_33 = tpu.memref_squeeze %dma_start3A_32 : memref<1x102x128xi32, #tpu.memory_space<hbm>> -> memref<102x128xi32, #tpu.memory_space<hbm>>
        %dma_start3A_34 = arith.constant 0 : i32
        %dma_start3A_35 = arith.constant 0 : i32
        %dma_start3A_36 = tpu.memref_slice %arg10[%dma_start3A_34, %dma_start3A_35] : memref<102x128xi32, #tpu.memory_space<vmem>> -> memref<102x128xi32, #tpu.memory_space<vmem>>
        %dma_start3A_37 = arith.constant 0 : i32
        %dma_start3A_38 = arith.constant 0 : i32
        %dma_start3A_39 = tpu.memref_slice %arg4[%arg1, %dma_start3A_37, %dma_start3A_38] : memref<16x102x128xi32, #tpu.memory_space<hbm>> -> memref<1x102x128xi32, #tpu.memory_space<hbm>>
        %dma_start3A_40 = tpu.memref_squeeze %dma_start3A_39 : memref<1x102x128xi32, #tpu.memory_space<hbm>> -> memref<102x128xi32, #tpu.memory_space<hbm>>
        tpu.enqueue_dma source(%dma_start3A_40 : memref<102x128xi32, #tpu.memory_space<hbm>>) target(%dma_start3A_36 : memref<102x128xi32, #tpu.memory_space<vmem>>) target_semaphore(%run_scoped3A : memref<!tpu.dma_semaphore, #tpu.memory_space<semaphore_mem>>)
        %dma_wait3A = arith.constant 0 : i32
        %dma_wait3A_41 = arith.constant 0 : i32
        %dma_wait3A_42 = tpu.memref_slice %arg10[%dma_wait3A, %dma_wait3A_41] : memref<102x128xi32, #tpu.memory_space<vmem>> -> memref<102x128xi32, #tpu.memory_space<vmem>>
        %dma_wait3A_43 = arith.constant 0 : i32
        %dma_wait3A_44 = arith.constant 0 : i32
        %dma_wait3A_45 = tpu.memref_slice %arg4[%arg1, %dma_wait3A_43, %dma_wait3A_44] : memref<16x102x128xi32, #tpu.memory_space<hbm>> -> memref<1x102x128xi32, #tpu.memory_space<hbm>>
        %dma_wait3A_46 = tpu.memref_squeeze %dma_wait3A_45 : memref<1x102x128xi32, #tpu.memory_space<hbm>> -> memref<102x128xi32, #tpu.memory_space<hbm>>
        %dma_wait3A_47 = arith.constant 0 : i32
        %dma_wait3A_48 = arith.constant 0 : i32
        %dma_wait3A_49 = tpu.memref_slice %arg10[%dma_wait3A_47, %dma_wait3A_48] : memref<102x128xi32, #tpu.memory_space<vmem>> -> memref<102x128xi32, #tpu.memory_space<vmem>>
        %dma_wait3A_50 = arith.constant 0 : i32
        %dma_wait3A_51 = arith.constant 0 : i32
        %dma_wait3A_52 = tpu.memref_slice %arg4[%arg1, %dma_wait3A_50, %dma_wait3A_51] : memref<16x102x128xi32, #tpu.memory_space<hbm>> -> memref<1x102x128xi32, #tpu.memory_space<hbm>>
        %dma_wait3A_53 = tpu.memref_squeeze %dma_wait3A_52 : memref<1x102x128xi32, #tpu.memory_space<hbm>> -> memref<102x128xi32, #tpu.memory_space<hbm>>
        tpu.wait_dma2 semaphore(%run_scoped3A : memref<!tpu.dma_semaphore, #tpu.memory_space<semaphore_mem>>) src(%dma_wait3A_53 : memref<102x128xi32, #tpu.memory_space<hbm>>) dst(%dma_wait3A_49 : memref<102x128xi32, #tpu.memory_space<vmem>>)
        tpu.yield
      }) : () -> ()
    } else {
    }
    %eq3A_2 = arith.constant 1 : i32
    %eq3A_3 = arith.cmpi eq, %arg0, %eq3A_2 : i32
    %convert_element_type3A_4 = arith.extui %eq3A_3 : i1 to i32
    %cond3A_5 = arith.constant 0 : i32
    %cond3A_6 = arith.cmpi ne, %convert_element_type3A_4, %cond3A_5 : i32
    scf.if %cond3A_6 {
      "tpu.region"() ({
        %run_scoped3A = tpu.sem_alloc : memref<!tpu.dma_semaphore, #tpu.memory_space<semaphore_mem>>
        %dma_start3A = arith.constant 0 : i32
        %dma_start3A_28 = arith.constant 0 : i32
        %dma_start3A_29 = tpu.memref_slice %arg9[%dma_start3A, %dma_start3A_28] : memref<102x128xi32, #tpu.memory_space<vmem>> -> memref<55x128xi32, #tpu.memory_space<vmem>>
        %dma_start3A_30 = arith.constant 0 : i32
        %dma_start3A_31 = arith.constant 0 : i32
        %dma_start3A_32 = tpu.memref_slice %arg5[%arg1, %dma_start3A_30, %dma_start3A_31] : memref<16x55x128xi32, #tpu.memory_space<hbm>> -> memref<1x55x128xi32, #tpu.memory_space<hbm>>
        %dma_start3A_33 = tpu.memref_squeeze %dma_start3A_32 : memref<1x55x128xi32, #tpu.memory_space<hbm>> -> memref<55x128xi32, #tpu.memory_space<hbm>>
        %dma_start3A_34 = arith.constant 0 : i32
        %dma_start3A_35 = arith.constant 0 : i32
        %dma_start3A_36 = tpu.memref_slice %arg9[%dma_start3A_34, %dma_start3A_35] : memref<102x128xi32, #tpu.memory_space<vmem>> -> memref<55x128xi32, #tpu.memory_space<vmem>>
        %dma_start3A_37 = arith.constant 0 : i32
        %dma_start3A_38 = arith.constant 0 : i32
        %dma_start3A_39 = tpu.memref_slice %arg5[%arg1, %dma_start3A_37, %dma_start3A_38] : memref<16x55x128xi32, #tpu.memory_space<hbm>> -> memref<1x55x128xi32, #tpu.memory_space<hbm>>
        %dma_start3A_40 = tpu.memref_squeeze %dma_start3A_39 : memref<1x55x128xi32, #tpu.memory_space<hbm>> -> memref<55x128xi32, #tpu.memory_space<hbm>>
        tpu.enqueue_dma source(%dma_start3A_40 : memref<55x128xi32, #tpu.memory_space<hbm>>) target(%dma_start3A_36 : memref<55x128xi32, #tpu.memory_space<vmem>>) target_semaphore(%run_scoped3A : memref<!tpu.dma_semaphore, #tpu.memory_space<semaphore_mem>>)
        %dma_wait3A = arith.constant 0 : i32
        %dma_wait3A_41 = arith.constant 0 : i32
        %dma_wait3A_42 = tpu.memref_slice %arg9[%dma_wait3A, %dma_wait3A_41] : memref<102x128xi32, #tpu.memory_space<vmem>> -> memref<55x128xi32, #tpu.memory_space<vmem>>
        %dma_wait3A_43 = arith.constant 0 : i32
        %dma_wait3A_44 = arith.constant 0 : i32
        %dma_wait3A_45 = tpu.memref_slice %arg5[%arg1, %dma_wait3A_43, %dma_wait3A_44] : memref<16x55x128xi32, #tpu.memory_space<hbm>> -> memref<1x55x128xi32, #tpu.memory_space<hbm>>
        %dma_wait3A_46 = tpu.memref_squeeze %dma_wait3A_45 : memref<1x55x128xi32, #tpu.memory_space<hbm>> -> memref<55x128xi32, #tpu.memory_space<hbm>>
        %dma_wait3A_47 = arith.constant 0 : i32
        %dma_wait3A_48 = arith.constant 0 : i32
        %dma_wait3A_49 = tpu.memref_slice %arg9[%dma_wait3A_47, %dma_wait3A_48] : memref<102x128xi32, #tpu.memory_space<vmem>> -> memref<55x128xi32, #tpu.memory_space<vmem>>
        %dma_wait3A_50 = arith.constant 0 : i32
        %dma_wait3A_51 = arith.constant 0 : i32
        %dma_wait3A_52 = tpu.memref_slice %arg5[%arg1, %dma_wait3A_50, %dma_wait3A_51] : memref<16x55x128xi32, #tpu.memory_space<hbm>> -> memref<1x55x128xi32, #tpu.memory_space<hbm>>
        %dma_wait3A_53 = tpu.memref_squeeze %dma_wait3A_52 : memref<1x55x128xi32, #tpu.memory_space<hbm>> -> memref<55x128xi32, #tpu.memory_space<hbm>>
        tpu.wait_dma2 semaphore(%run_scoped3A : memref<!tpu.dma_semaphore, #tpu.memory_space<semaphore_mem>>) src(%dma_wait3A_53 : memref<55x128xi32, #tpu.memory_space<hbm>>) dst(%dma_wait3A_49 : memref<55x128xi32, #tpu.memory_space<vmem>>)
        tpu.yield
      }) : () -> ()
      "tpu.region"() ({
        %run_scoped3A = tpu.sem_alloc : memref<!tpu.dma_semaphore, #tpu.memory_space<semaphore_mem>>
        %dma_start3A = arith.constant 0 : i32
        %dma_start3A_28 = arith.constant 0 : i32
        %dma_start3A_29 = tpu.memref_slice %arg10[%dma_start3A, %dma_start3A_28] : memref<102x128xi32, #tpu.memory_space<vmem>> -> memref<55x128xi32, #tpu.memory_space<vmem>>
        %dma_start3A_30 = arith.constant 0 : i32
        %dma_start3A_31 = arith.constant 0 : i32
        %dma_start3A_32 = tpu.memref_slice %arg6[%arg1, %dma_start3A_30, %dma_start3A_31] : memref<16x55x128xi32, #tpu.memory_space<hbm>> -> memref<1x55x128xi32, #tpu.memory_space<hbm>>
        %dma_start3A_33 = tpu.memref_squeeze %dma_start3A_32 : memref<1x55x128xi32, #tpu.memory_space<hbm>> -> memref<55x128xi32, #tpu.memory_space<hbm>>
        %dma_start3A_34 = arith.constant 0 : i32
        %dma_start3A_35 = arith.constant 0 : i32
        %dma_start3A_36 = tpu.memref_slice %arg10[%dma_start3A_34, %dma_start3A_35] : memref<102x128xi32, #tpu.memory_space<vmem>> -> memref<55x128xi32, #tpu.memory_space<vmem>>
        %dma_start3A_37 = arith.constant 0 : i32
        %dma_start3A_38 = arith.constant 0 : i32
        %dma_start3A_39 = tpu.memref_slice %arg6[%arg1, %dma_start3A_37, %dma_start3A_38] : memref<16x55x128xi32, #tpu.memory_space<hbm>> -> memref<1x55x128xi32, #tpu.memory_space<hbm>>
        %dma_start3A_40 = tpu.memref_squeeze %dma_start3A_39 : memref<1x55x128xi32, #tpu.memory_space<hbm>> -> memref<55x128xi32, #tpu.memory_space<hbm>>
        tpu.enqueue_dma source(%dma_start3A_40 : memref<55x128xi32, #tpu.memory_space<hbm>>) target(%dma_start3A_36 : memref<55x128xi32, #tpu.memory_space<vmem>>) target_semaphore(%run_scoped3A : memref<!tpu.dma_semaphore, #tpu.memory_space<semaphore_mem>>)
        %dma_wait3A = arith.constant 0 : i32
        %dma_wait3A_41 = arith.constant 0 : i32
        %dma_wait3A_42 = tpu.memref_slice %arg10[%dma_wait3A, %dma_wait3A_41] : memref<102x128xi32, #tpu.memory_space<vmem>> -> memref<55x128xi32, #tpu.memory_space<vmem>>
        %dma_wait3A_43 = arith.constant 0 : i32
        %dma_wait3A_44 = arith.constant 0 : i32
        %dma_wait3A_45 = tpu.memref_slice %arg6[%arg1, %dma_wait3A_43, %dma_wait3A_44] : memref<16x55x128xi32, #tpu.memory_space<hbm>> -> memref<1x55x128xi32, #tpu.memory_space<hbm>>
        %dma_wait3A_46 = tpu.memref_squeeze %dma_wait3A_45 : memref<1x55x128xi32, #tpu.memory_space<hbm>> -> memref<55x128xi32, #tpu.memory_space<hbm>>
        %dma_wait3A_47 = arith.constant 0 : i32
        %dma_wait3A_48 = arith.constant 0 : i32
        %dma_wait3A_49 = tpu.memref_slice %arg10[%dma_wait3A_47, %dma_wait3A_48] : memref<102x128xi32, #tpu.memory_space<vmem>> -> memref<55x128xi32, #tpu.memory_space<vmem>>
        %dma_wait3A_50 = arith.constant 0 : i32
        %dma_wait3A_51 = arith.constant 0 : i32
        %dma_wait3A_52 = tpu.memref_slice %arg6[%arg1, %dma_wait3A_50, %dma_wait3A_51] : memref<16x55x128xi32, #tpu.memory_space<hbm>> -> memref<1x55x128xi32, #tpu.memory_space<hbm>>
        %dma_wait3A_53 = tpu.memref_squeeze %dma_wait3A_52 : memref<1x55x128xi32, #tpu.memory_space<hbm>> -> memref<55x128xi32, #tpu.memory_space<hbm>>
        tpu.wait_dma2 semaphore(%run_scoped3A : memref<!tpu.dma_semaphore, #tpu.memory_space<semaphore_mem>>) src(%dma_wait3A_53 : memref<55x128xi32, #tpu.memory_space<hbm>>) dst(%dma_wait3A_49 : memref<55x128xi32, #tpu.memory_space<vmem>>)
        tpu.yield
      }) : () -> ()
    } else {
    }
    %mul3A = arith.constant 632 : i32
    %mul3A_7 = arith.muli %arg1, %mul3A : i32
    "tpu.region"() ({
      %run_scoped3A = tpu.sem_alloc : memref<!tpu.dma_semaphore, #tpu.memory_space<semaphore_mem>>
      %dma_start3A = arith.constant 0 : i32
      %dma_start3A_28 = tpu.memref_slice %arg12[%mul3A_7, %dma_start3A] : memref<10112x128xf32, #tpu.memory_space<vmem_shared>> -> memref<632x128xf32, #tpu.memory_space<vmem_shared>>
      tpu.enqueue_dma source(%arg7 : memref<632x128xf32, #tpu.memory_space<hbm>>) target(%dma_start3A_28 : memref<632x128xf32, #tpu.memory_space<vmem_shared>>) target_semaphore(%run_scoped3A : memref<!tpu.dma_semaphore, #tpu.memory_space<semaphore_mem>>)
      %dma_wait3A = arith.constant 0 : i32
      %dma_wait3A_29 = tpu.memref_slice %arg12[%mul3A_7, %dma_wait3A] : memref<10112x128xf32, #tpu.memory_space<vmem_shared>> -> memref<632x128xf32, #tpu.memory_space<vmem_shared>>
      tpu.wait_dma2 semaphore(%run_scoped3A : memref<!tpu.dma_semaphore, #tpu.memory_space<semaphore_mem>>) src(%arg7 : memref<632x128xf32, #tpu.memory_space<hbm>>) dst(%dma_wait3A_29 : memref<632x128xf32, #tpu.memory_space<vmem_shared>>)
      tpu.yield
    }) : () -> ()
    %barrier3A = arith.constant 0 : index
    tpu.barrier barrier_id(%barrier3A)
    %eq3A_8 = arith.constant 0 : i32
    %eq3A_9 = arith.cmpi eq, %arg0, %eq3A_8 : i32
    %select_n3A = arith.constant 55 : i32
    %select_n3A_10 = arith.constant 102 : i32
    %select_n3A_11 = arith.select %eq3A_9, %select_n3A_10, %select_n3A : i32
    %while3A = arith.constant 0 : i32
    %while3A_12 = arith.constant 0 : i32
    %while3A_13 = arith.subi %select_n3A_11, %while3A_12 : i32
    %while3A_14 = arith.addi %while3A_12, %while3A_13 : i32
    %while3A_15 = arith.constant 1 : i32
    %while3A_16 = arith.divsi %while3A_13, %while3A_15 : i32
    %while3A_17 = arith.muli %while3A_16, %while3A_15 : i32
    %while3A_18 = arith.addi %while3A_12, %while3A_17 : i32
    %while3A_19 = arith.constant 1 : i32
    scf.for %while3A_28 = %while3A_12 to %while3A_18 step %while3A_19  : i32 {
      %dma_start3A = arith.constant 0 : i32
      %dma_start3A_29 = tpu.memref_slice %arg9[%while3A_28, %dma_start3A] : memref<102x128xi32, #tpu.memory_space<vmem>> -> memref<1x128xi32, #tpu.memory_space<vmem>>
      %dma_start3A_30 = tpu.memref_squeeze %dma_start3A_29 : memref<1x128xi32, #tpu.memory_space<vmem>> -> memref<128xi32, #tpu.memory_space<vmem>>
      %dma_start3A_31 = arith.constant 0 : i32
      %dma_start3A_32 = arith.constant 0 : i32
      %dma_start3A_33 = tpu.memref_slice %arg2[%dma_start3A_31, %dma_start3A_32] : memref<10000x128xf32, #tpu.memory_space<hbm>> -> memref<10000x128xf32, #tpu.memory_space<hbm>>
      tpu.enqueue_indirect_dma source(%dma_start3A_33 : memref<10000x128xf32, #tpu.memory_space<hbm>>) target(%arg11 : memref<128x128xf32, #tpu.memory_space<vmem>>) offsets(%dma_start3A_30 : memref<128xi32, #tpu.memory_space<vmem>>) semaphore(%arg13 : memref<!tpu.dma_semaphore, #tpu.memory_space<semaphore_mem>>)
      %dma_wait3A = arith.constant 0 : i32
      %dma_wait3A_34 = tpu.memref_slice %arg9[%while3A_28, %dma_wait3A] : memref<102x128xi32, #tpu.memory_space<vmem>> -> memref<1x128xi32, #tpu.memory_space<vmem>>
      %dma_wait3A_35 = tpu.memref_squeeze %dma_wait3A_34 : memref<1x128xi32, #tpu.memory_space<vmem>> -> memref<128xi32, #tpu.memory_space<vmem>>
      %dma_wait3A_36 = arith.constant 0 : i32
      %dma_wait3A_37 = arith.constant 0 : i32
      %dma_wait3A_38 = tpu.memref_slice %arg2[%dma_wait3A_36, %dma_wait3A_37] : memref<10000x128xf32, #tpu.memory_space<hbm>> -> memref<10000x128xf32, #tpu.memory_space<hbm>>
      tpu.wait_indirect_dma semaphore(%arg13 : memref<!tpu.dma_semaphore, #tpu.memory_space<semaphore_mem>>) src(%dma_wait3A_38 : memref<10000x128xf32, #tpu.memory_space<hbm>>) dst(%arg11 : memref<128x128xf32, #tpu.memory_space<vmem>>)
      "tpu.region"() ({
        %run_scoped3A = tpu.sem_alloc : memref<!tpu.dma_semaphore, #tpu.memory_space<semaphore_mem>>
        %dma_start3A_39 = arith.constant 0 : i32
        %dma_start3A_40 = tpu.memref_slice %arg10[%while3A_28, %dma_start3A_39] : memref<102x128xi32, #tpu.memory_space<vmem>> -> memref<1x128xi32, #tpu.memory_space<vmem>>
        %dma_start3A_41 = tpu.memref_squeeze %dma_start3A_40 : memref<1x128xi32, #tpu.memory_space<vmem>> -> memref<128xi32, #tpu.memory_space<vmem>>
        %dma_start3A_42 = arith.constant 0 : i32
        %dma_start3A_43 = arith.constant 0 : i32
        %dma_start3A_44 = tpu.memref_slice %arg12[%dma_start3A_42, %dma_start3A_43] : memref<10112x128xf32, #tpu.memory_space<vmem_shared>> -> memref<10112x128xf32, #tpu.memory_space<vmem_shared>>
        tpu.enqueue_indirect_dma source(%arg11 : memref<128x128xf32, #tpu.memory_space<vmem>>) target(%dma_start3A_44 : memref<10112x128xf32, #tpu.memory_space<vmem_shared>>) offsets(%dma_start3A_41 : memref<128xi32, #tpu.memory_space<vmem>>) semaphore(%run_scoped3A : memref<!tpu.dma_semaphore, #tpu.memory_space<semaphore_mem>>) {add = true}
        %dma_wait3A_45 = arith.constant 0 : i32
        %dma_wait3A_46 = tpu.memref_slice %arg10[%while3A_28, %dma_wait3A_45] : memref<102x128xi32, #tpu.memory_space<vmem>> -> memref<1x128xi32, #tpu.memory_space<vmem>>
        %dma_wait3A_47 = tpu.memref_squeeze %dma_wait3A_46 : memref<1x128xi32, #tpu.memory_space<vmem>> -> memref<128xi32, #tpu.memory_space<vmem>>
        %dma_wait3A_48 = arith.constant 0 : i32
        %dma_wait3A_49 = arith.constant 0 : i32
        %dma_wait3A_50 = tpu.memref_slice %arg12[%dma_wait3A_48, %dma_wait3A_49] : memref<10112x128xf32, #tpu.memory_space<vmem_shared>> -> memref<10112x128xf32, #tpu.memory_space<vmem_shared>>
        tpu.wait_indirect_dma semaphore(%run_scoped3A : memref<!tpu.dma_semaphore, #tpu.memory_space<semaphore_mem>>) src(%arg11 : memref<128x128xf32, #tpu.memory_space<vmem>>) dst(%dma_wait3A_50 : memref<10112x128xf32, #tpu.memory_space<vmem_shared>>)
        tpu.yield
      }) : () -> ()
    }
    %while3A_20 = arith.constant 1 : i32
    scf.for %while3A_28 = %while3A_18 to %while3A_14 step %while3A_20  : i32 {
      %dma_start3A = arith.constant 0 : i32
      %dma_start3A_29 = tpu.memref_slice %arg9[%while3A_28, %dma_start3A] : memref<102x128xi32, #tpu.memory_space<vmem>> -> memref<1x128xi32, #tpu.memory_space<vmem>>
      %dma_start3A_30 = tpu.memref_squeeze %dma_start3A_29 : memref<1x128xi32, #tpu.memory_space<vmem>> -> memref<128xi32, #tpu.memory_space<vmem>>
      %dma_start3A_31 = arith.constant 0 : i32
      %dma_start3A_32 = arith.constant 0 : i32
      %dma_start3A_33 = tpu.memref_slice %arg2[%dma_start3A_31, %dma_start3A_32] : memref<10000x128xf32, #tpu.memory_space<hbm>> -> memref<10000x128xf32, #tpu.memory_space<hbm>>
      tpu.enqueue_indirect_dma source(%dma_start3A_33 : memref<10000x128xf32, #tpu.memory_space<hbm>>) target(%arg11 : memref<128x128xf32, #tpu.memory_space<vmem>>) offsets(%dma_start3A_30 : memref<128xi32, #tpu.memory_space<vmem>>) semaphore(%arg13 : memref<!tpu.dma_semaphore, #tpu.memory_space<semaphore_mem>>)
      %dma_wait3A = arith.constant 0 : i32
      %dma_wait3A_34 = tpu.memref_slice %arg9[%while3A_28, %dma_wait3A] : memref<102x128xi32, #tpu.memory_space<vmem>> -> memref<1x128xi32, #tpu.memory_space<vmem>>
      %dma_wait3A_35 = tpu.memref_squeeze %dma_wait3A_34 : memref<1x128xi32, #tpu.memory_space<vmem>> -> memref<128xi32, #tpu.memory_space<vmem>>
      %dma_wait3A_36 = arith.constant 0 : i32
      %dma_wait3A_37 = arith.constant 0 : i32
      %dma_wait3A_38 = tpu.memref_slice %arg2[%dma_wait3A_36, %dma_wait3A_37] : memref<10000x128xf32, #tpu.memory_space<hbm>> -> memref<10000x128xf32, #tpu.memory_space<hbm>>
      tpu.wait_indirect_dma semaphore(%arg13 : memref<!tpu.dma_semaphore, #tpu.memory_space<semaphore_mem>>) src(%dma_wait3A_38 : memref<10000x128xf32, #tpu.memory_space<hbm>>) dst(%arg11 : memref<128x128xf32, #tpu.memory_space<vmem>>)
      "tpu.region"() ({
        %run_scoped3A = tpu.sem_alloc : memref<!tpu.dma_semaphore, #tpu.memory_space<semaphore_mem>>
        %dma_start3A_39 = arith.constant 0 : i32
        %dma_start3A_40 = tpu.memref_slice %arg10[%while3A_28, %dma_start3A_39] : memref<102x128xi32, #tpu.memory_space<vmem>> -> memref<1x128xi32, #tpu.memory_space<vmem>>
        %dma_start3A_41 = tpu.memref_squeeze %dma_start3A_40 : memref<1x128xi32, #tpu.memory_space<vmem>> -> memref<128xi32, #tpu.memory_space<vmem>>
        %dma_start3A_42 = arith.constant 0 : i32
        %dma_start3A_43 = arith.constant 0 : i32
        %dma_start3A_44 = tpu.memref_slice %arg12[%dma_start3A_42, %dma_start3A_43] : memref<10112x128xf32, #tpu.memory_space<vmem_shared>> -> memref<10112x128xf32, #tpu.memory_space<vmem_shared>>
        tpu.enqueue_indirect_dma source(%arg11 : memref<128x128xf32, #tpu.memory_space<vmem>>) target(%dma_start3A_44 : memref<10112x128xf32, #tpu.memory_space<vmem_shared>>) offsets(%dma_start3A_41 : memref<128xi32, #tpu.memory_space<vmem>>) semaphore(%run_scoped3A : memref<!tpu.dma_semaphore, #tpu.memory_space<semaphore_mem>>) {add = true}
        %dma_wait3A_45 = arith.constant 0 : i32
        %dma_wait3A_46 = tpu.memref_slice %arg10[%while3A_28, %dma_wait3A_45] : memref<102x128xi32, #tpu.memory_space<vmem>> -> memref<1x128xi32, #tpu.memory_space<vmem>>
        %dma_wait3A_47 = tpu.memref_squeeze %dma_wait3A_46 : memref<1x128xi32, #tpu.memory_space<vmem>> -> memref<128xi32, #tpu.memory_space<vmem>>
        %dma_wait3A_48 = arith.constant 0 : i32
        %dma_wait3A_49 = arith.constant 0 : i32
        %dma_wait3A_50 = tpu.memref_slice %arg12[%dma_wait3A_48, %dma_wait3A_49] : memref<10112x128xf32, #tpu.memory_space<vmem_shared>> -> memref<10112x128xf32, #tpu.memory_space<vmem_shared>>
        tpu.wait_indirect_dma semaphore(%run_scoped3A : memref<!tpu.dma_semaphore, #tpu.memory_space<semaphore_mem>>) src(%arg11 : memref<128x128xf32, #tpu.memory_space<vmem>>) dst(%dma_wait3A_50 : memref<10112x128xf32, #tpu.memory_space<vmem_shared>>)
        tpu.yield
      }) : () -> ()
    }
    %barrier3A_21 = arith.constant 0 : index
    tpu.barrier barrier_id(%barrier3A_21)
    %mul3A_22 = arith.constant 10112 : i32
    %mul3A_23 = arith.muli %arg0, %mul3A_22 : i32
    %mul3A_24 = arith.constant 632 : i32
    %mul3A_25 = arith.muli %arg1, %mul3A_24 : i32
    %add3A = arith.addi %mul3A_23, %mul3A_25 : i32
    %mul3A_26 = arith.constant 632 : i32
    %mul3A_27 = arith.muli %arg1, %mul3A_26 : i32
    "tpu.region"() ({
      %run_scoped3A = tpu.sem_alloc : memref<!tpu.dma_semaphore, #tpu.memory_space<semaphore_mem>>
      %dma_start3A = arith.constant 0 : i32
      %dma_start3A_28 = tpu.memref_slice %arg8[%add3A, %dma_start3A] : memref<20224x128xf32, #tpu.memory_space<hbm>> -> memref<632x128xf32, #tpu.memory_space<hbm>>
      %dma_start3A_29 = arith.constant 0 : i32
      %dma_start3A_30 = tpu.memref_slice %arg12[%mul3A_27, %dma_start3A_29] : memref<10112x128xf32, #tpu.memory_space<vmem_shared>> -> memref<632x128xf32, #tpu.memory_space<vmem_shared>>
      tpu.enqueue_dma source(%dma_start3A_30 : memref<632x128xf32, #tpu.memory_space<vmem_shared>>) target(%dma_start3A_28 : memref<632x128xf32, #tpu.memory_space<hbm>>) target_semaphore(%run_scoped3A : memref<!tpu.dma_semaphore, #tpu.memory_space<semaphore_mem>>)
      %dma_wait3A = arith.constant 0 : i32
      %dma_wait3A_31 = tpu.memref_slice %arg8[%add3A, %dma_wait3A] : memref<20224x128xf32, #tpu.memory_space<hbm>> -> memref<632x128xf32, #tpu.memory_space<hbm>>
      %dma_wait3A_32 = arith.constant 0 : i32
      %dma_wait3A_33 = tpu.memref_slice %arg12[%mul3A_27, %dma_wait3A_32] : memref<10112x128xf32, #tpu.memory_space<vmem_shared>> -> memref<632x128xf32, #tpu.memory_space<vmem_shared>>
      tpu.wait_dma2 semaphore(%run_scoped3A : memref<!tpu.dma_semaphore, #tpu.memory_space<semaphore_mem>>) src(%dma_wait3A_33 : memref<632x128xf32, #tpu.memory_space<vmem_shared>>) dst(%dma_wait3A_31 : memref<632x128xf32, #tpu.memory_space<hbm>>)
      tpu.yield
    }) : () -> ()
    return
  }
}

module attributes {stable_mosaic.version = 14 : i64} {
  func.func @body(%arg0: memref<20224x128xf32, #tpu.memory_space<vmem>>, %arg1: memref<10000x128xf32, #tpu.memory_space<vmem>>, %arg2: memref<128x128xf32, #tpu.memory_space<vmem>>, %arg3: memref<1x128xf32, #tpu.memory_space<vmem>>, %arg4: memref<128x128xf32, #tpu.memory_space<vmem>>, %arg5: memref<10000x128xf32, #tpu.memory_space<vmem>>) attributes {dimension_semantics = [], scalar_prefetch = 0 : i64, scratch_operands = 0 : i64, tpu.core_type = #tpu.core_type<tc>} {
    %get3A = arith.constant 0 : index
    %get3A_0 = arith.constant 0 : index
    %get3A_1 = vector.load %arg0[%get3A, %get3A_0] : memref<20224x128xf32, #tpu.memory_space<vmem>>, vector<10000x128xf32>
    %get3A_2 = arith.constant 10112 : index
    %get3A_3 = arith.constant 0 : index
    %get3A_4 = vector.load %arg0[%get3A_2, %get3A_3] : memref<20224x128xf32, #tpu.memory_space<vmem>>, vector<10000x128xf32>
    %add3A = arith.addf %get3A_1, %get3A_4 : vector<10000x128xf32>
    %get3A_5 = arith.constant 0 : index
    %get3A_6 = arith.constant 0 : index
    %get3A_7 = vector.load %arg2[%get3A_5, %get3A_6] : memref<128x128xf32, #tpu.memory_space<vmem>>, vector<128x128xf32>
    %dot_general3A = arith.constant dense<0.000000e+00> : vector<10000x128xf32>
    %dot_general3A_8 = tpu.matmul %add3A, %get3A_7, %dot_general3A {dimension_numbers = #tpu.dot_dimension_numbers<[1], [0], [0], [1], [0, 0, 1, 1], [], []>, transpose_lhs_hint = false} : vector<10000x128xf32>, vector<128x128xf32>, vector<10000x128xf32> -> vector<10000x128xf32>
    %get3A_9 = arith.constant 0 : index
    %get3A_10 = arith.constant 0 : index
    %get3A_11 = vector.load %arg3[%get3A_9, %get3A_10] : memref<1x128xf32, #tpu.memory_space<vmem>>, vector<1x128xf32>
    %add3A_12 = vector.broadcast %get3A_11 : vector<1x128xf32> to vector<10000x128xf32>
    %add3A_13 = arith.addf %dot_general3A_8, %add3A_12 : vector<10000x128xf32>
    %get3A_14 = arith.constant 0 : index
    %get3A_15 = arith.constant 0 : index
    %get3A_16 = vector.load %arg1[%get3A_14, %get3A_15] : memref<10000x128xf32, #tpu.memory_space<vmem>>, vector<10000x128xf32>
    %get3A_17 = arith.constant 0 : index
    %get3A_18 = arith.constant 0 : index
    %get3A_19 = vector.load %arg4[%get3A_17, %get3A_18] : memref<128x128xf32, #tpu.memory_space<vmem>>, vector<128x128xf32>
    %dot_general3A_20 = arith.constant dense<0.000000e+00> : vector<10000x128xf32>
    %dot_general3A_21 = tpu.matmul %get3A_16, %get3A_19, %dot_general3A_20 {dimension_numbers = #tpu.dot_dimension_numbers<[1], [0], [0], [1], [0, 0, 1, 1], [], []>, transpose_lhs_hint = false} : vector<10000x128xf32>, vector<128x128xf32>, vector<10000x128xf32> -> vector<10000x128xf32>
    %add3A_22 = arith.addf %add3A_13, %dot_general3A_21 : vector<10000x128xf32>
    %max3A = arith.constant 0.000000e+00 : f32
    %max3A_23 = vector.broadcast %max3A : f32 to vector<10000x128xf32>
    %max3A_24 = arith.maximumf %add3A_22, %max3A_23 : vector<10000x128xf32>
    %swap3A = arith.constant 0 : index
    %swap3A_25 = arith.constant 0 : index
    %swap3A_26 = vector.load %arg5[%swap3A, %swap3A_25] : memref<10000x128xf32, #tpu.memory_space<vmem>>, vector<10000x128xf32>
    tpu.vector_store %arg5[%swap3A, %swap3A_25], %max3A_24 {strides = array<i32>} : memref<10000x128xf32, #tpu.memory_space<vmem>>, vector<10000x128xf32>,
    return
  }
}

module attributes {stable_mosaic.version = 14 : i64} {
  func.func @body(%arg0: memref<20224x128xf32, #tpu.memory_space<vmem>>, %arg1: memref<10000x128xf32, #tpu.memory_space<vmem>>, %arg2: memref<128x128xf32, #tpu.memory_space<vmem>>, %arg3: memref<1x128xf32, #tpu.memory_space<vmem>>, %arg4: memref<128x128xf32, #tpu.memory_space<vmem>>, %arg5: memref<128x128xf32, #tpu.memory_space<vmem>>, %arg6: memref<1x128xf32, #tpu.memory_space<vmem>>, %arg7: memref<10000x128xf32, #tpu.memory_space<vmem>>) attributes {dimension_semantics = [], scalar_prefetch = 0 : i64, scratch_operands = 0 : i64, tpu.core_type = #tpu.core_type<tc>} {
    %get3A = arith.constant 0 : index
    %get3A_0 = arith.constant 0 : index
    %get3A_1 = vector.load %arg0[%get3A, %get3A_0] : memref<20224x128xf32, #tpu.memory_space<vmem>>, vector<10000x128xf32>
    %get3A_2 = arith.constant 10112 : index
    %get3A_3 = arith.constant 0 : index
    %get3A_4 = vector.load %arg0[%get3A_2, %get3A_3] : memref<20224x128xf32, #tpu.memory_space<vmem>>, vector<10000x128xf32>
    %add3A = arith.addf %get3A_1, %get3A_4 : vector<10000x128xf32>
    %get3A_5 = arith.constant 0 : index
    %get3A_6 = arith.constant 0 : index
    %get3A_7 = vector.load %arg2[%get3A_5, %get3A_6] : memref<128x128xf32, #tpu.memory_space<vmem>>, vector<128x128xf32>
    %dot_general3A = arith.constant dense<0.000000e+00> : vector<10000x128xf32>
    %dot_general3A_8 = tpu.matmul %add3A, %get3A_7, %dot_general3A {dimension_numbers = #tpu.dot_dimension_numbers<[1], [0], [0], [1], [0, 0, 1, 1], [], []>, transpose_lhs_hint = false} : vector<10000x128xf32>, vector<128x128xf32>, vector<10000x128xf32> -> vector<10000x128xf32>
    %get3A_9 = arith.constant 0 : index
    %get3A_10 = arith.constant 0 : index
    %get3A_11 = vector.load %arg3[%get3A_9, %get3A_10] : memref<1x128xf32, #tpu.memory_space<vmem>>, vector<1x128xf32>
    %add3A_12 = vector.broadcast %get3A_11 : vector<1x128xf32> to vector<10000x128xf32>
    %add3A_13 = arith.addf %dot_general3A_8, %add3A_12 : vector<10000x128xf32>
    %get3A_14 = arith.constant 0 : index
    %get3A_15 = arith.constant 0 : index
    %get3A_16 = vector.load %arg1[%get3A_14, %get3A_15] : memref<10000x128xf32, #tpu.memory_space<vmem>>, vector<10000x128xf32>
    %get3A_17 = arith.constant 0 : index
    %get3A_18 = arith.constant 0 : index
    %get3A_19 = vector.load %arg4[%get3A_17, %get3A_18] : memref<128x128xf32, #tpu.memory_space<vmem>>, vector<128x128xf32>
    %dot_general3A_20 = arith.constant dense<0.000000e+00> : vector<10000x128xf32>
    %dot_general3A_21 = tpu.matmul %get3A_16, %get3A_19, %dot_general3A_20 {dimension_numbers = #tpu.dot_dimension_numbers<[1], [0], [0], [1], [0, 0, 1, 1], [], []>, transpose_lhs_hint = false} : vector<10000x128xf32>, vector<128x128xf32>, vector<10000x128xf32> -> vector<10000x128xf32>
    %add3A_22 = arith.addf %add3A_13, %dot_general3A_21 : vector<10000x128xf32>
    %max3A = arith.constant 0.000000e+00 : f32
    %max3A_23 = vector.broadcast %max3A : f32 to vector<10000x128xf32>
    %max3A_24 = arith.maximumf %add3A_22, %max3A_23 : vector<10000x128xf32>
    %get3A_25 = arith.constant 0 : index
    %get3A_26 = arith.constant 0 : index
    %get3A_27 = vector.load %arg5[%get3A_25, %get3A_26] : memref<128x128xf32, #tpu.memory_space<vmem>>, vector<128x128xf32>
    %dot_general3A_28 = arith.constant dense<0.000000e+00> : vector<10000x128xf32>
    %dot_general3A_29 = tpu.matmul %max3A_24, %get3A_27, %dot_general3A_28 {dimension_numbers = #tpu.dot_dimension_numbers<[1], [0], [0], [1], [0, 0, 1, 1], [], []>, transpose_lhs_hint = false} : vector<10000x128xf32>, vector<128x128xf32>, vector<10000x128xf32> -> vector<10000x128xf32>
    %get3A_30 = arith.constant 0 : index
    %get3A_31 = arith.constant 0 : index
    %get3A_32 = vector.load %arg6[%get3A_30, %get3A_31] : memref<1x128xf32, #tpu.memory_space<vmem>>, vector<1x128xf32>
    %add3A_33 = vector.broadcast %get3A_32 : vector<1x128xf32> to vector<10000x128xf32>
    %add3A_34 = arith.addf %dot_general3A_29, %add3A_33 : vector<10000x128xf32>
    %swap3A = arith.constant 0 : index
    %swap3A_35 = arith.constant 0 : index
    %swap3A_36 = vector.load %arg7[%swap3A, %swap3A_35] : memref<10000x128xf32, #tpu.memory_space<vmem>>, vector<10000x128xf32>
    tpu.vector_store %arg7[%swap3A, %swap3A_35], %add3A_34 {strides = array<i32>} : memref<10000x128xf32, #tpu.memory_space<vmem>>, vector<10000x128xf32>,
    return
  }
}

</mosaic_0001>

<sc_bundles>
// kernel: kernel.6.cloned.1.call-start
scs
__scs_entry_jumppad:
0x0: {  	(pc) =	sbr.rel $0x88, $3  }
0x1: {  	(tag) =	ssettag $0x0;
	lr =	simm.s32 $0x1  }
0x2: {  	[smem:$0x3F97] =	sst lr;
	_ =	strace $0xD0000000  }
0x3: {  	_ = 	snop  }
0x4: {  	_ = 	snop  }
0x5: {  	_ = 	snop  }
0x6: {  	_ = 	snop  }
0x7: {  	_ = 	snop  }
__scs_overlays_trampoline_lowered:
0x8: {  	[smem:$0x3FA6] =	sst s0  }
0x9: {  	[smem:$0x3FA7] =	sst s1  }
0xa: {  	[smem:$0x3FA8] =	sst s2  }
0xb: {  	[smem:$0x3FA9] =	sst s3  }
0xc: {  	[smem:$0x3FAA] =	sst s4  }
0xd: {  	[smem:$0x3FAB] =	sst s5  }
0xe: {  	[smem:$0x3FAC] =	sst s6  }
0xf: {  	[smem:$0x3FAD] =	sst s7  }
0x10: {  	[smem:$0x3FAE] =	sst s8  }
0x11: {  	[smem:$0x3FAF] =	sst s9;
	s0 =	simm.s32 @!p0 $0x0  }
0x12: {  	s1 =	sld [smem:$0x3F95];
	s0 =	simm.s32 @p0 $0x1  }
0x13: {  	[smem:$0x3FB0] =	sst s0;
	s0 =	simm.s32 @!p1 $0x0  }
0x14: {  	s2 =	sld [smem:$0x3F94];
	s0 =	simm.s32 @p1 $0x1  }
0x15: {  	[smem:$0x3FB1] =	sst s0;
	s0 =	simm.s32 @!p2 $0x0  }
0x16: {  	s3 =	sld [smem:$0x3FDB];
	s0 =	simm.s32 @p2 $0x1  }
0x17: {  	s4 =	simm.s32 $0x1BF5;
	[smem:$0x3FB3] =	sst s0  }
0x18: {  	s0 =	sld [smem:$0x3F96];
	_ =	swait.ge [sflag:s4], $0x0  }
0x19: {  	s7 =	sld [smem:$0x3F97]  }
0x1a: {  	s8 =	sadd.s32 $0xFFFFE003, lr  }
0x1b: {  	s9 =	sadd.s32 $0xFFFFFEF7, lr;
	s5 =	simm.s32 $0xFFFFFFFF;
	p2 =	slt.u32 s8, $0xFFFFF086  }
0x1c: {  	p1 =	slt.u32 s9, $0xF7A;
	s5 =	simm.s32 @!p2 $0x0  }
0x1d: {  	s5 =	simm.s32 @p1 $0x1;
	p0 =	seq.s32 s7, s2  }
0x1e: {  	s7 =	smul.u32 @!p0 $0xF7A, s2;
	p2 =	seq.s32 @!p0 s5, $0x0  }
0x1f: {  	s9 =	smul.u32 $0xF7A, s1;
	s8 =	simm.s32 @!p0 $0x1BF5;
	p2 =	por !p2, p0  }
0x20: {  	[sflag:s8] =	ssyncset.s32 @!p0 $0xFFFFF086;
	s6 =	sadd.s32 @!p0 s3, s7;
	s7 =	simm.s32 @!p0 $0x108  }
0x21: {  	s3 =	sadd.s32 s3, s9;
	s6 =	sadd.s32 @!p0 $0x88, s6;
	s7 =	simm.s32 @p2 $0x1082  }
0x22: {  	[simem:s7], [sflag:s8] =	dma.local @!p0 [hbm:s6], $0xF7A  }
0x23: {  	s9 =	sor.u32 $0xD0000000, s2;
	s6 =	simm.s32 $0x108;
	_ =	swait.ge @!p0 [sflag:s8], $0x0  }
0x24: {  	s3 =	sadd.s32 $0x88, s3;
	s6 =	simm.s32 @!p1 $0x1082;
	[sflag:s4] =	ssyncset.s32 $0xFFFFF086  }
0x25: {  	[simem:s6], [sflag:s4] =	dma.local [hbm:s3], $0xF7A  }
0x26: {  	[smem:$0x3F97] =	sst s1;
	(tag) =	ssettag s2;
	_ =	strace s9  }
0x27: {  	s1 =	sld [smem:$0x3FA7]  }
0x28: {  	s2 =	sld [smem:$0x3FA8]  }
0x29: {  	s4 =	sld [smem:$0x3FAA]  }
0x2a: {  	p0 =	seq.s32 s5, $0x0;
	s5 =	sld [smem:$0x3FAB]  }
0x2b: {  	s6 =	sld [smem:$0x3FAC]  }
0x2c: {  	s7 =	sld [smem:$0x3FAD]  }
0x2d: {  	s3 =	simm.s32 $0x108;
	s8 =	sld [smem:$0x3FAE]  }
0x2e: {  	s3 =	simm.s32 @!p0 $0x1082;
	s9 =	sld [smem:$0x3FAF]  }
0x2f: {  	lr =	sadd.s32 s0, s3;
	s0 =	sld [smem:$0x3FA6]  }
0x30: {  	s3 =	sld [smem:$0x3FA9]  }
0x31: {  	[smem:$0x3FB2] =	sst s10  }
0x32: {  	s10 =	sld [smem:$0x3FB0];
	_ =	sdelay $0x3  }
0x33: {  	p0 =	seq.s32 s10, $0x1;
	s10 =	sld [smem:$0x3FB2];
	_ =	sdelay $0x3  }
0x34: {  	[smem:$0x3FB2] =	sst s10  }
0x35: {  	s10 =	sld [smem:$0x3FB1];
	_ =	sdelay $0x3  }
0x36: {  	p1 =	seq.s32 s10, $0x1;
	s10 =	sld [smem:$0x3FB2];
	_ =	sdelay $0x3  }
0x37: {  	[smem:$0x3FB2] =	sst s10  }
0x38: {  	s10 =	sld [smem:$0x3FB3]  }
0x39: {  	_ = 	snop;
	(pc) =	sbr.ind lr, $3  }
0x3a: {  	_ = 	snop  }
0x3b: {  	_ = 	snop  }
0x3c: {  	p2 =	seq.s32 s10, $0x1;
	s10 =	sld [smem:$0x3FB2]  }
0x3d: {  	_ =	shalt  }
0x3e: {  	_ =	shalt  }
0x3f: {  	_ =	shalt  }
0x40: {  	_ =	shalt  }
0x41: {  	_ =	shalt  }
0x42: {  	_ =	shalt  }
0x43: {  	_ =	shalt  }
0x44: {  	_ =	shalt  }
0x45: {  	_ =	shalt  }
0x46: {  	_ =	shalt  }
0x47: {  	_ =	shalt  }
0x48: {  	_ =	shalt  }
0x49: {  	_ =	shalt  }
0x4a: {  	_ =	shalt  }
0x4b: {  	_ =	shalt  }
0x4c: {  	_ =	shalt  }
0x4d: {  	_ =	shalt  }
0x4e: {  	_ =	shalt  }
0x4f: {  	_ =	shalt  }
0x50: {  	_ =	shalt  }
0x51: {  	_ =	shalt  }
0x52: {  	_ =	shalt  }
0x53: {  	_ =	shalt  }
0x54: {  	_ =	shalt  }
0x55: {  	_ =	shalt  }
0x56: {  	_ =	shalt  }
0x57: {  	_ =	shalt  }
0x58: {  	_ =	shalt  }
0x59: {  	_ =	shalt  }
0x5a: {  	_ =	shalt  }
0x5b: {  	_ =	shalt  }
0x5c: {  	_ =	shalt  }
0x5d: {  	_ =	shalt  }
0x5e: {  	_ =	shalt  }
0x5f: {  	_ =	shalt  }
0x60: {  	_ =	shalt  }
0x61: {  	_ =	shalt  }
0x62: {  	_ =	shalt  }
0x63: {  	_ =	shalt  }
0x64: {  	_ =	shalt  }
0x65: {  	_ =	shalt  }
0x66: {  	_ =	shalt  }
0x67: {  	_ =	shalt  }
0x68: {  	_ =	shalt  }
0x69: {  	_ =	shalt  }
0x6a: {  	_ =	shalt  }
0x6b: {  	_ =	shalt  }
0x6c: {  	_ =	shalt  }
0x6d: {  	_ =	shalt  }
0x6e: {  	_ =	shalt  }
0x6f: {  	_ =	shalt  }
0x70: {  	_ =	shalt  }
0x71: {  	_ =	shalt  }
0x72: {  	_ =	shalt  }
0x73: {  	_ =	shalt  }
0x74: {  	_ =	shalt  }
0x75: {  	_ =	shalt  }
0x76: {  	_ =	shalt  }
0x77: {  	_ =	shalt  }
0x78: {  	_ =	shalt  }
0x79: {  	_ =	shalt  }
0x7a: {  	_ =	shalt  }
0x7b: {  	_ =	shalt  }
0x7c: {  	_ =	shalt  }
0x7d: {  	_ =	shalt  }
0x7e: {  	_ =	shalt  }
0x7f: {  	_ =	shalt  }
0x80: {  	_ =	shalt  }
0x81: {  	_ =	shalt  }
0x82: {  	_ =	shalt  }
0x83: {  	_ =	shalt  }
0x84: {  	_ =	shalt  }
0x85: {  	_ =	shalt  }
0x86: {  	_ =	shalt  }
0x87: {  	_ =	shalt  }
.Lfunc_end0:
.L_simem_size_0:
called_computation_lowered:
.L_overlay_start_0:
0x88: {  	s2 =	sld [smem:$0x3FD9]  }
0x89: {  	s3 =	sld [smem:$0x3FFE];
	_ =	sdelay $0x1  }
0x8a: {  	s1 =	srdreg.scid  }
0x8b: {  	s0 =	sand.u32 $0x1, s1  }
0x8c: {  	s17 =	sshll.u32 s0, $0xA;
	s2 =	sadd.s32 s3, s2  }
0x8d: {  	s2 =	sadd.s32 s2, s17  }
0x8e: {  	[smem:$0x3FBE] =	sst s2  }
0x8f: {  	_ = 	snop  }
0x90: {  	s2 =	sld [smem:$0x3FC9];
	(tm) =	ssettm $0x1  }
0x91: {  	s18 =	sld [smem:$0x3FFB];
	_ =	sdelay $0x3  }
0x92: {  	_ =	strace s18  }
0x93: {  	s3 =	sld [smem:$0x3FFC];
	_ =	sdelay $0x3  }
0x94: {  	_ =	strace s3  }
0x95: {  	s3 =	sld [smem:$0x3FFD];
	_ =	sdelay $0x3  }
0x96: {  	_ =	strace s3  }
0x97: {  	_ =	strace $0x8FFFFFFF  }
0x98: {  	s19 =	sld [smem:$0x3FDB];
	_ =	sdelay $0x1  }
0x99: {  	s4 =	simm.s32 $_scs_section_size  }
0x9a: {  	s5 =	simm.s32 $_size__tile_overlayer_lowered;
	s6 =	simm.s32 $_tile_overlayer_lowered  }
0x9b: {  	s22 =	simm.s32 $0x1BFF;
	s21 =	sshll.u32 s6, $0x1;
	s3 =	sadd.s32 s4, s19  }
0x9c: {  	s7 =	simm.s32 $0x0;
	s20 =	sshll.u32 s5, $0x1;
	s5 =	sadd.s32 s21, s3  }
0x9d: {  	[timem:s7], [sflag:s22] =	dma.local [hbm:s5], s20  }
0x9e: {  	_ =	swait.ge [sflag:s22], s20  }
0x9f: {  	s4 =	ssub.s32 $0x0, s20;
	[sflag:s22] =	ssyncset.done $0x0  }
0xa0: {  	[sflag:s22] =	ssyncadd.s32 s4;
	_ =	sdelay $0x1  }
0xa1: {  	s23 =	simm.s32 $0x1B8B  }
0xa2: {  	_ =	swait.ge [sflag:s23], $0x1  }
0xa3: {  	[sflag:s23] =	ssyncset.done $0x0  }
0xa4: {  	s25 =	simm.s32 $0x1B8E;
	s24 =	sld [smem:$0x3FFE];
	[sflag:s23] =	ssyncadd.s32 $0xFFFFFFFF  }
0xa5: {  	s26 =	simm.s32 $execute0_lowered;
	[smem:$0x3FD2] =	sst s25  }
0xa6: {  	s5 =	sshll.u32 s26, $0x1;
	_ =	strace $0x80000046;
	[dreg:$0x1] =	wrdreg $0xFFFFFFFF  }
0xa7: {  	s28 =	simm.s32 $_size_execute0_lowered;
	s3 =	sadd.s32 s3, s5;
	[dreg:$0x0] =	wrdreg $0x0  }
0xa8: {  	s5 =	sshll.u32 s28, $0x1;
	[dreg:$0x2] =	wrdreg s3  }
0xa9: {  	[dreg:$0x3] =	wrdreg s5  }
0xaa: {  	[dreg:$0x4] =	wrdreg $0xC0  }
0xab: {  	_ =	task [dreg:s7], $0x5FFFF  }
0xac: {  	[dreg:$0x1] =	wrdreg $0xFFFFFFFF  }
0xad: {  	[dreg:$0x0] =	wrdreg $0x60  }
0xae: {  	[dreg:$0x2] =	wrdreg s2  }
0xaf: {  	[dreg:$0x3] =	wrdreg s24  }
0xb0: {  	[dreg:$0x4] =	wrdreg $0xA8000  }
0xb1: {  	[dreg:$0x5] =	wrdreg $0x9  }
0xb2: {  	_ =	task.clear_ibuf [dreg:s7], $0x6FFFF;
	_ =	strace $0x90000046  }
0xb3: {  	s29 =	simm.s32 $0x9;
	_ =	strace $0x80000048  }
0xb4: {  	_ =	swait.ge [sflag:s29], $0x1  }
0xb5: {  	[sflag:s29] =	ssyncadd.s32 $0xFFFFFFFF  }
0xb6: {  	_ =	strace $0x90000048  }
0xb7: {  	_ =	sfence  }
0xb8: {  	s30 =	sld [smem:$0x0];
	_ =	sdelay $0x2  }
0xb9: {  	s31 =	sshll.u32 s1, $0xD;
	s1 =	sshrl.u32 s1, $0x2  }
0xba: {  	s3 =	sand.u32 $0x4000, s31;
	s1 =	sadd.s32 s1, s30  }
0xbb: {  	s0 =	sor.u32 s3, s0;
	s1 =	sshll.u32 s1, $0x11  }
0xbc: {  	s0 =	sor.u32 s1, s0  }
0xbd: {  	s0 =	sadd.s32 $0x8F2B, s0  }
0xbe: {  	[sflag:s0] =	ssyncadd.remote.s32 $0x1  }
0xbf: {  	_ =	sfence.sel $0xFFFF  }
0xc0: {  	[dreg:$0x0] =	wrdreg $0xFFFFFFFF;
	(pc) =	sbr.abs _section_cstart, $3  }
0xc1: {  	[dreg:$0x1] =	wrdreg $0xFFFFFFFF  }
0xc2: {  	_ =	task.clear_ibuf [dreg:s7], $0x2FFFF;
	_ =	strace $0x9FFFFFFF  }
0xc3: {  	(tm) =	ssettm $0x7FFFFFFF  }
tec
execute0_lowered:
.L_overlay_start_1:
0x0: {  	(tag) =	ssettag $0x1  }
0x1: {  	s2 =	rddreg [dreg:$0x0]  }
0x2: {  	s6 =	rddreg [dreg:$0x1]  }
0x3: {  	s3 =	rddreg [dreg:$0x2]  }
0x4: {  	s1 =	stileid.u32;
	s0 =	rddreg [dreg:$0x3]  }
0x5: {  	s8 =	srdreg.scid;
	s5 =	smul.u32 $0x680, s1  }
0x6: {  	s4 =	simm.s32 $0x0;
	s16 =	simm.s32 $0x6800;
	s7 =	smul.u32 $0x380, s1  }
0x7: {  	s17 =	simm.s32 $0x1;
	s18 =	simm.s32 $0x0;
	s28 =	smul.u32 $0x2780, s1  }
0x8: {  	s12 =	sand.u32 $0x1, s8;
	[smem:$0x7FF] =	sst s4;
	s13 =	smul.u32 $0x4F000, s1  }
0x9: {  	s15 =	sshll.u32 s1, $0x6;
	s9 =	smul.u32 $0x27800, s12;
	_ =	strace $0x80000047  }
0xa: {  	s29 =	ssub.s32 $0x2, s12;
	p0 =	sne.s32 s12, $0x0;
	s12 =	sor.u32 $0x1C02, s15  }
0xb: {  	s15 =	simm.s32 $0x80;
	s10 =	sadd.s32 s5, s6;
	s7 =	sadd.s32 s7, s6  }
0xc: {  	s5 =	sadd.s32 $0x15A00, s6;
	s30 =	sshrl.u32 s29, $0x1;
	s31 =	sshrl.u32 s13, $0x2  }
0xd: {  	s8 =	sadd.s32 s28, s9;
	s14 =	ssub.s32 s29, s30;
	s9 =	sadd.s32 $0x1A00, s10  }
0xe: {  	s13 =	sadd.s32 s31, s3;
	s11 =	sadd.s32 s8, s6;
	s6 =	sadd.s32 $0x12200, s7  }
0xf: {  	s7 =	sadd.s32 $0xEA00, s7;
	s8 =	sadd.s32 $0x8200, s10;
	s13 =	sshrl.u32 s13, $0x3  }
0x10: {  	s10 =	sadd.s32 $0x18200, s11;
	s11 =	smax.u32 s14, $0x1;
	s14 =	simm.s32 $0x2  }
.LBB2_1:
0x11: {  	s19 =	simm.s32 @p0 $0x0;
	s20 =	simm.s32 @p0 $0x2  }
0x12: {  	[tilespmem:s19], [sflag:$0x2] =	stream.linear.gather @p0 [hbm4b:s6+s19], $0x1B80, $0x38;
	[tilespmem:$0x1E400] =	vst v63  }
0x13: {  	_ =	swait.ge @p0 [sflag:s20], $0x1B80  }
0x14: {  	[sflag:s20] =	ssyncset.done @p0 $0x0  }
0x15: {  	s21 =	simm.s32 @p0 $0x3400;
	[sflag:s20] =	ssyncadd.s32 @p0 $0xFFFFE480  }
0x16: {  	[tilespmem:s21], [sflag:$0x2] =	stream.linear.gather @p0 [hbm4b:s7+s19], $0x1B80, $0x38;
	[tilespmem:$0x1E400] =	vst v63  }
0x17: {  	_ =	swait.ge @p0 [sflag:s20], $0x1B80  }
0x18: {  	[sflag:s20] =	ssyncset.done @p0 $0x0  }
0x19: {  	s19 =	simm.s32 @!p0 $0x0;
	[sflag:s20] =	ssyncadd.s32 @p0 $0xFFFFE480;
	s20 =	simm.s32 @!p0 $0x2  }
0x1a: {  	[tilespmem:s19], [sflag:$0x2] =	stream.linear.gather @!p0 [hbm4b:s8+s19], $0x3300, $0x38;
	[tilespmem:$0x1E400] =	vst v63  }
0x1b: {  	_ =	swait.ge @!p0 [sflag:s20], $0x3300  }
0x1c: {  	[sflag:s20] =	ssyncset.done @!p0 $0x0  }
0x1d: {  	s21 =	simm.s32 @!p0 $0x3400;
	[sflag:s20] =	ssyncadd.s32 @!p0 $0xFFFFCD00  }
0x1e: {  	[tilespmem:s21], [sflag:$0x2] =	stream.linear.gather @!p0 [hbm4b:s9+s19], $0x3300, $0x38;
	[tilespmem:$0x1E400] =	vst v63  }
0x1f: {  	_ =	swait.ge @!p0 [sflag:s20], $0x3300  }
0x20: {  	[sflag:s20] =	ssyncset.done @!p0 $0x0  }
0x21: {  	[sflag:s20] =	ssyncadd.s32 @!p0 $0xFFFFCD00  }
0x22: {  	[spmem:s13], [sflag:s12] =	dma.local [hbm:s5], $0x2780  }
0x23: {  	_ =	swait.ge [sflag:s14], $0x2780  }
0x24: {  	[sflag:s14] =	ssyncset.done $0x0  }
0x25: {  	s20 =	simm.s32 @!p0 $0x66;
	[sflag:s14] =	ssyncadd.s32 $0xFFFFD880  }
0x26: {  	s20 =	simm.s32 @p0 $0x37;
	[bflag:$0x0] =	sbarrier.arrive $0xFFFF  }
0x27: {  	[tilespmem:s16], [sflag:$0x1] =	stream.indirect.gather [hbm4b:s2+s15], $0x80, s4, s15, $0xb8;
	[tilespmem:$0x1E400] =	vst v63  }
0x28: {  	p1 =	sne.s32 s20, $0x1;
	_ =	swait.ge [sflag:s17], $0x4000  }
.Ltmp0:
0x29: {  	[sflag:s17] =	ssyncset.done $0x0;
	(pc) =	sbr.rel @!p1 .LBB2_3-.Ltmp0, $4  }
0x2a: {  	s19 =	simm.s32 $0x3400;
	[sflag:s17] =	ssyncadd.s32 $0xFFFFC000  }
0x2b: {  	[spmem:s3] =	stream.indirect.scatter.add.f32 [tilespmem:s16], [sflag:$0x2], $0x80, s19, s15, $0xb8;
	[tilespmem:$0x1E400] =	vst v63  }
0x2c: {  	_ =	swait.ge [sflag:s14], $0x4000  }
0x2d: {  	s21 =	simm.s32 $0x0;
	s20 =	sadd.s32 $0xFFFFFFFF, s20;
	[sflag:s14] =	ssyncset.done $0x0  }
.LBB2_2:
0x2e: {  	[sflag:s14] =	ssyncadd.s32 $0xFFFFC000;
	s21 =	sadd.s32 $0x80, s21;
	s19 =	sadd.s32 $0x80, s19  }
0x2f: {  	[tilespmem:s16], [sflag:$0x1] =	stream.indirect.gather [hbm4b:s2+s15], $0x80, s21, s15, $0xb8;
	[tilespmem:$0x1E400] =	vst v63  }
0x30: {  	p1 =	sne.s32 s20, $0x1;
	s20 =	sadd.s32 $0xFFFFFFFF, s20;
	_ =	swait.ge [sflag:s17], $0x4000  }
.Ltmp1:
0x31: {  	[sflag:s17] =	ssyncset.done $0x0;
	(pc) =	sbr.rel @p1 .LBB2_2-.Ltmp1, $4  }
0x32: {  	[sflag:s17] =	ssyncadd.s32 $0xFFFFC000  }
0x33: {  	[spmem:s3] =	stream.indirect.scatter.add.f32 [tilespmem:s16], [sflag:$0x2], $0x80, s19, s15, $0xb8;
	[tilespmem:$0x1E400] =	vst v63  }
0x34: {  	_ =	swait.ge [sflag:s14], $0x4000  }
0x35: {  	[sflag:s14] =	ssyncset.done $0x0  }
.LBB2_3:
0x36: {  	s18 =	sadd.s32 $0x1, s18  }
0x37: {  	[sflag:s14] =	ssyncadd.s32 $0xFFFFC000;
	p1 =	sne.s32 s18, s11  }
.Ltmp2:
0x38: {  	[bflag:$0x0] =	sbarrier.arrive $0xFFFF;
	(pc) =	sbr.rel @p1 .LBB2_1-.Ltmp2, $4  }
0x39: {  	[hbm:s10], [sflag:s12] =	dma.local [spmem:s13], $0x2780  }
0x3a: {  	_ =	swait.ge [sflag:s14], $0x2780  }
0x3b: {  	[sflag:s14] =	ssyncset.done $0x0  }
0x3c: {  	[sflag:s14] =	ssyncadd.s32 $0xFFFFD880  }
0x3d: {  	_ =	sfence.sel $0x180000  }
0x3e: {  	[bflag:$0x0] =	sbarrier.arrive $0xFFFF  }
0x3f: {  	p0 =	sne.s32 s1, $0x0;
	_ =	strace $0x90000047  }
0x40: {  	s0 =	sadd.s32 @!p0 $0x100000, s0;
	[bflag:$0x2] =	sbarrier.arrive $0xFFFF  }
0x41: {  	[sflag:s0] =	ssyncadd.tile.s32 @!p0 $0x1;
	_ =	shalt  }
.Lfunc_end2:
_tile_overlayer_lowered:
.L_overlay_start_2:
0x42: {  	(tag) =	ssettag $0x2  }
0x43: {  	s0 =	rddreg [dreg:$0x0];
	s2 =	stileid.u32  }
0x44: {  	s1 =	rddreg [dreg:$0x1];
	p0 =	sne.s32 s2, $0x0  }
0x45: {  	s3 =	rddreg [dreg:$0x2];
	[bflag:$0x3] =	sbarrier.arrive $0xFFFF;
	s2 =	simm.s32 @!p0 $0x1C02  }
0x46: {  	[timem:s3], [sflag:s2] =	dma.local @!p0 [hbm:s0], s1  }
0x47: {  	s0 =	simm.s32 @!p0 $0x2  }
0x48: {  	_ =	swait.ge @!p0 [sflag:s0], s1  }
0x49: {  	s1 =	ssub.s32 @!p0 $0x0, s1;
	[sflag:s0] =	ssyncset.done @!p0 $0x0  }
0x4a: {  	[sflag:s0] =	ssyncadd.s32 @!p0 s1  }
0x4b: {  	[bflag:$0x3] =	sbarrier.arrive $0xFFFF  }
0x4c: {  	_ =	shalt  }

// kernel: kernel.9.cloned.1.call-start
scs
__scs_entry_jumppad:
0x0: {  	(pc) =	sbr.rel $0x88, $3  }
0x1: {  	(tag) =	ssettag $0x0;
	lr =	simm.s32 $0x1  }
0x2: {  	[smem:$0x3F97] =	sst lr;
	_ =	strace $0xD0000000  }
0x3: {  	_ = 	snop  }
0x4: {  	_ = 	snop  }
0x5: {  	_ = 	snop  }
0x6: {  	_ = 	snop  }
0x7: {  	_ = 	snop  }
__scs_overlays_trampoline_lowered:
0x8: {  	[smem:$0x3FA6] =	sst s0  }
0x9: {  	[smem:$0x3FA7] =	sst s1  }
0xa: {  	[smem:$0x3FA8] =	sst s2  }
0xb: {  	[smem:$0x3FA9] =	sst s3  }
0xc: {  	[smem:$0x3FAA] =	sst s4  }
0xd: {  	[smem:$0x3FAB] =	sst s5  }
0xe: {  	[smem:$0x3FAC] =	sst s6  }
0xf: {  	[smem:$0x3FAD] =	sst s7  }
0x10: {  	[smem:$0x3FAE] =	sst s8  }
0x11: {  	[smem:$0x3FAF] =	sst s9;
	s0 =	simm.s32 @!p0 $0x0  }
0x12: {  	s1 =	sld [smem:$0x3F95];
	s0 =	simm.s32 @p0 $0x1  }
0x13: {  	[smem:$0x3FB0] =	sst s0;
	s0 =	simm.s32 @!p1 $0x0  }
0x14: {  	s2 =	sld [smem:$0x3F94];
	s0 =	simm.s32 @p1 $0x1  }
0x15: {  	[smem:$0x3FB1] =	sst s0;
	s0 =	simm.s32 @!p2 $0x0  }
0x16: {  	s3 =	sld [smem:$0x3FDB];
	s0 =	simm.s32 @p2 $0x1  }
0x17: {  	s4 =	simm.s32 $0x1BF5;
	[smem:$0x3FB3] =	sst s0  }
0x18: {  	s0 =	sld [smem:$0x3F96];
	_ =	swait.ge [sflag:s4], $0x0  }
0x19: {  	s7 =	sld [smem:$0x3F97]  }
0x1a: {  	s8 =	sadd.s32 $0xFFFFE003, lr  }
0x1b: {  	s9 =	sadd.s32 $0xFFFFFEF7, lr;
	s5 =	simm.s32 $0xFFFFFFFF;
	p2 =	slt.u32 s8, $0xFFFFF086  }
0x1c: {  	p1 =	slt.u32 s9, $0xF7A;
	s5 =	simm.s32 @!p2 $0x0  }
0x1d: {  	s5 =	simm.s32 @p1 $0x1;
	p0 =	seq.s32 s7, s2  }
0x1e: {  	s7 =	smul.u32 @!p0 $0xF7A, s2;
	p2 =	seq.s32 @!p0 s5, $0x0  }
0x1f: {  	s9 =	smul.u32 $0xF7A, s1;
	s8 =	simm.s32 @!p0 $0x1BF5;
	p2 =	por !p2, p0  }
0x20: {  	[sflag:s8] =	ssyncset.s32 @!p0 $0xFFFFF086;
	s6 =	sadd.s32 @!p0 s3, s7;
	s7 =	simm.s32 @!p0 $0x108  }
0x21: {  	s3 =	sadd.s32 s3, s9;
	s6 =	sadd.s32 @!p0 $0x88, s6;
	s7 =	simm.s32 @p2 $0x1082  }
0x22: {  	[simem:s7], [sflag:s8] =	dma.local @!p0 [hbm:s6], $0xF7A  }
0x23: {  	s9 =	sor.u32 $0xD0000000, s2;
	s6 =	simm.s32 $0x108;
	_ =	swait.ge @!p0 [sflag:s8], $0x0  }
0x24: {  	s3 =	sadd.s32 $0x88, s3;
	s6 =	simm.s32 @!p1 $0x1082;
	[sflag:s4] =	ssyncset.s32 $0xFFFFF086  }
0x25: {  	[simem:s6], [sflag:s4] =	dma.local [hbm:s3], $0xF7A  }
0x26: {  	[smem:$0x3F97] =	sst s1;
	(tag) =	ssettag s2;
	_ =	strace s9  }
0x27: {  	s1 =	sld [smem:$0x3FA7]  }
0x28: {  	s2 =	sld [smem:$0x3FA8]  }
0x29: {  	s4 =	sld [smem:$0x3FAA]  }
0x2a: {  	p0 =	seq.s32 s5, $0x0;
	s5 =	sld [smem:$0x3FAB]  }
0x2b: {  	s6 =	sld [smem:$0x3FAC]  }
0x2c: {  	s7 =	sld [smem:$0x3FAD]  }
0x2d: {  	s3 =	simm.s32 $0x108;
	s8 =	sld [smem:$0x3FAE]  }
0x2e: {  	s3 =	simm.s32 @!p0 $0x1082;
	s9 =	sld [smem:$0x3FAF]  }
0x2f: {  	lr =	sadd.s32 s0, s3;
	s0 =	sld [smem:$0x3FA6]  }
0x30: {  	s3 =	sld [smem:$0x3FA9]  }
0x31: {  	[smem:$0x3FB2] =	sst s10  }
0x32: {  	s10 =	sld [smem:$0x3FB0];
	_ =	sdelay $0x3  }
0x33: {  	p0 =	seq.s32 s10, $0x1;
	s10 =	sld [smem:$0x3FB2];
	_ =	sdelay $0x3  }
0x34: {  	[smem:$0x3FB2] =	sst s10  }
0x35: {  	s10 =	sld [smem:$0x3FB1];
	_ =	sdelay $0x3  }
0x36: {  	p1 =	seq.s32 s10, $0x1;
	s10 =	sld [smem:$0x3FB2];
	_ =	sdelay $0x3  }
0x37: {  	[smem:$0x3FB2] =	sst s10  }
0x38: {  	s10 =	sld [smem:$0x3FB3]  }
0x39: {  	_ = 	snop;
	(pc) =	sbr.ind lr, $3  }
0x3a: {  	_ = 	snop  }
0x3b: {  	_ = 	snop  }
0x3c: {  	p2 =	seq.s32 s10, $0x1;
	s10 =	sld [smem:$0x3FB2]  }
0x3d: {  	_ =	shalt  }
0x3e: {  	_ =	shalt  }
0x3f: {  	_ =	shalt  }
0x40: {  	_ =	shalt  }
0x41: {  	_ =	shalt  }
0x42: {  	_ =	shalt  }
0x43: {  	_ =	shalt  }
0x44: {  	_ =	shalt  }
0x45: {  	_ =	shalt  }
0x46: {  	_ =	shalt  }
0x47: {  	_ =	shalt  }
0x48: {  	_ =	shalt  }
0x49: {  	_ =	shalt  }
0x4a: {  	_ =	shalt  }
0x4b: {  	_ =	shalt  }
0x4c: {  	_ =	shalt  }
0x4d: {  	_ =	shalt  }
0x4e: {  	_ =	shalt  }
0x4f: {  	_ =	shalt  }
0x50: {  	_ =	shalt  }
0x51: {  	_ =	shalt  }
0x52: {  	_ =	shalt  }
0x53: {  	_ =	shalt  }
0x54: {  	_ =	shalt  }
0x55: {  	_ =	shalt  }
0x56: {  	_ =	shalt  }
0x57: {  	_ =	shalt  }
0x58: {  	_ =	shalt  }
0x59: {  	_ =	shalt  }
0x5a: {  	_ =	shalt  }
0x5b: {  	_ =	shalt  }
0x5c: {  	_ =	shalt  }
0x5d: {  	_ =	shalt  }
0x5e: {  	_ =	shalt  }
0x5f: {  	_ =	shalt  }
0x60: {  	_ =	shalt  }
0x61: {  	_ =	shalt  }
0x62: {  	_ =	shalt  }
0x63: {  	_ =	shalt  }
0x64: {  	_ =	shalt  }
0x65: {  	_ =	shalt  }
0x66: {  	_ =	shalt  }
0x67: {  	_ =	shalt  }
0x68: {  	_ =	shalt  }
0x69: {  	_ =	shalt  }
0x6a: {  	_ =	shalt  }
0x6b: {  	_ =	shalt  }
0x6c: {  	_ =	shalt  }
0x6d: {  	_ =	shalt  }
0x6e: {  	_ =	shalt  }
0x6f: {  	_ =	shalt  }
0x70: {  	_ =	shalt  }
0x71: {  	_ =	shalt  }
0x72: {  	_ =	shalt  }
0x73: {  	_ =	shalt  }
0x74: {  	_ =	shalt  }
0x75: {  	_ =	shalt  }
0x76: {  	_ =	shalt  }
0x77: {  	_ =	shalt  }
0x78: {  	_ =	shalt  }
0x79: {  	_ =	shalt  }
0x7a: {  	_ =	shalt  }
0x7b: {  	_ =	shalt  }
0x7c: {  	_ =	shalt  }
0x7d: {  	_ =	shalt  }
0x7e: {  	_ =	shalt  }
0x7f: {  	_ =	shalt  }
0x80: {  	_ =	shalt  }
0x81: {  	_ =	shalt  }
0x82: {  	_ =	shalt  }
0x83: {  	_ =	shalt  }
0x84: {  	_ =	shalt  }
0x85: {  	_ =	shalt  }
0x86: {  	_ =	shalt  }
0x87: {  	_ =	shalt  }
.Lfunc_end0:
.L_simem_size_0:
called_computation.1_lowered:
.L_overlay_start_0:
0x88: {  	s2 =	sld [smem:$0x3FD9]  }
0x89: {  	s3 =	sld [smem:$0x3FFE];
	_ =	sdelay $0x1  }
0x8a: {  	s1 =	srdreg.scid  }
0x8b: {  	s0 =	sand.u32 $0x1, s1  }
0x8c: {  	s17 =	sshll.u32 s0, $0xA;
	s2 =	sadd.s32 s3, s2  }
0x8d: {  	s2 =	sadd.s32 s2, s17  }
0x8e: {  	[smem:$0x3FBE] =	sst s2  }
0x8f: {  	_ = 	snop  }
0x90: {  	s2 =	sld [smem:$0x3FD0];
	(tm) =	ssettm $0x1  }
0x91: {  	s18 =	sld [smem:$0x3FFB];
	_ =	sdelay $0x3  }
0x92: {  	_ =	strace s18  }
0x93: {  	s3 =	sld [smem:$0x3FFC];
	_ =	sdelay $0x3  }
0x94: {  	_ =	strace s3  }
0x95: {  	s3 =	sld [smem:$0x3FFD];
	_ =	sdelay $0x3  }
0x96: {  	_ =	strace s3  }
0x97: {  	_ =	strace $0x8FFFFFFF  }
0x98: {  	s19 =	sld [smem:$0x3FDB];
	_ =	sdelay $0x1  }
0x99: {  	s4 =	simm.s32 $_scs_section_size  }
0x9a: {  	s5 =	simm.s32 $_size__tile_overlayer_lowered;
	s6 =	simm.s32 $_tile_overlayer_lowered  }
0x9b: {  	s22 =	simm.s32 $0x1BFF;
	s21 =	sshll.u32 s6, $0x1;
	s3 =	sadd.s32 s4, s19  }
0x9c: {  	s7 =	simm.s32 $0x0;
	s20 =	sshll.u32 s5, $0x1;
	s5 =	sadd.s32 s21, s3  }
0x9d: {  	[timem:s7], [sflag:s22] =	dma.local [hbm:s5], s20  }
0x9e: {  	_ =	swait.ge [sflag:s22], s20  }
0x9f: {  	s4 =	ssub.s32 $0x0, s20;
	[sflag:s22] =	ssyncset.done $0x0  }
0xa0: {  	[sflag:s22] =	ssyncadd.s32 s4;
	_ =	sdelay $0x1  }
0xa1: {  	s23 =	simm.s32 $0x1B8B  }
0xa2: {  	_ =	swait.ge [sflag:s23], $0x1  }
0xa3: {  	[sflag:s23] =	ssyncset.done $0x0  }
0xa4: {  	s25 =	simm.s32 $0x1B8E;
	s24 =	sld [smem:$0x3FFE];
	[sflag:s23] =	ssyncadd.s32 $0xFFFFFFFF  }
0xa5: {  	s26 =	simm.s32 $execute0_lowered;
	[smem:$0x3FD2] =	sst s25  }
0xa6: {  	s5 =	sshll.u32 s26, $0x1;
	_ =	strace $0x80000049;
	[dreg:$0x1] =	wrdreg $0xFFFFFFFF  }
0xa7: {  	s28 =	simm.s32 $_size_execute0_lowered;
	s3 =	sadd.s32 s3, s5;
	[dreg:$0x0] =	wrdreg $0x0  }
0xa8: {  	s5 =	sshll.u32 s28, $0x1;
	[dreg:$0x2] =	wrdreg s3  }
0xa9: {  	[dreg:$0x3] =	wrdreg s5  }
0xaa: {  	[dreg:$0x4] =	wrdreg $0xC0  }
0xab: {  	_ =	task [dreg:s7], $0x5FFFF  }
0xac: {  	[dreg:$0x1] =	wrdreg $0xFFFFFFFF  }
0xad: {  	[dreg:$0x0] =	wrdreg $0x60  }
0xae: {  	[dreg:$0x2] =	wrdreg s2  }
0xaf: {  	[dreg:$0x3] =	wrdreg s24  }
0xb0: {  	[dreg:$0x4] =	wrdreg $0xA8000  }
0xb1: {  	[dreg:$0x5] =	wrdreg $0x9  }
0xb2: {  	_ =	task.clear_ibuf [dreg:s7], $0x6FFFF;
	_ =	strace $0x90000049  }
0xb3: {  	s29 =	simm.s32 $0x9;
	_ =	strace $0x8000004B  }
0xb4: {  	_ =	swait.ge [sflag:s29], $0x1  }
0xb5: {  	[sflag:s29] =	ssyncadd.s32 $0xFFFFFFFF  }
0xb6: {  	_ =	strace $0x9000004B  }
0xb7: {  	_ =	sfence  }
0xb8: {  	s30 =	sld [smem:$0x0];
	_ =	sdelay $0x2  }
0xb9: {  	s31 =	sshll.u32 s1, $0xD;
	s1 =	sshrl.u32 s1, $0x2  }
0xba: {  	s3 =	sand.u32 $0x4000, s31;
	s1 =	sadd.s32 s1, s30  }
0xbb: {  	s0 =	sor.u32 s3, s0;
	s1 =	sshll.u32 s1, $0x11  }
0xbc: {  	s0 =	sor.u32 s1, s0  }
0xbd: {  	s0 =	sadd.s32 $0x8F2B, s0  }
0xbe: {  	[sflag:s0] =	ssyncadd.remote.s32 $0x1  }
0xbf: {  	_ =	sfence.sel $0xFFFF  }
0xc0: {  	[dreg:$0x0] =	wrdreg $0xFFFFFFFF;
	(pc) =	sbr.abs _section_cstart, $3  }
0xc1: {  	[dreg:$0x1] =	wrdreg $0xFFFFFFFF  }
0xc2: {  	_ =	task.clear_ibuf [dreg:s7], $0x2FFFF;
	_ =	strace $0x9FFFFFFF  }
0xc3: {  	(tm) =	ssettm $0x7FFFFFFF  }
tec
execute0_lowered:
.L_overlay_start_1:
0x0: {  	(tag) =	ssettag $0x1  }
0x1: {  	s2 =	rddreg [dreg:$0x0]  }
0x2: {  	s6 =	rddreg [dreg:$0x1]  }
0x3: {  	s3 =	rddreg [dreg:$0x2]  }
0x4: {  	s1 =	stileid.u32;
	s0 =	rddreg [dreg:$0x3]  }
0x5: {  	s8 =	srdreg.scid;
	s5 =	smul.u32 $0x680, s1  }
0x6: {  	s4 =	simm.s32 $0x0;
	s16 =	simm.s32 $0x6800;
	s7 =	smul.u32 $0x380, s1  }
0x7: {  	s17 =	simm.s32 $0x1;
	s18 =	simm.s32 $0x0;
	s28 =	smul.u32 $0x2780, s1  }
0x8: {  	s12 =	sand.u32 $0x1, s8;
	[smem:$0x7FF] =	sst s4;
	s13 =	smul.u32 $0x4F000, s1  }
0x9: {  	s15 =	sshll.u32 s1, $0x6;
	s9 =	smul.u32 $0x27800, s12;
	_ =	strace $0x8000004A  }
0xa: {  	s29 =	ssub.s32 $0x2, s12;
	p0 =	sne.s32 s12, $0x0;
	s12 =	sor.u32 $0x1C02, s15  }
0xb: {  	s15 =	simm.s32 $0x80;
	s10 =	sadd.s32 s5, s6;
	s7 =	sadd.s32 s7, s6  }
0xc: {  	s5 =	sadd.s32 $0x15A00, s6;
	s30 =	sshrl.u32 s29, $0x1;
	s31 =	sshrl.u32 s13, $0x2  }
0xd: {  	s8 =	sadd.s32 s28, s9;
	s14 =	ssub.s32 s29, s30;
	s9 =	sadd.s32 $0x1A00, s10  }
0xe: {  	s13 =	sadd.s32 s31, s3;
	s11 =	sadd.s32 s8, s6;
	s6 =	sadd.s32 $0x12200, s7  }
0xf: {  	s7 =	sadd.s32 $0xEA00, s7;
	s8 =	sadd.s32 $0x8200, s10;
	s13 =	sshrl.u32 s13, $0x3  }
0x10: {  	s10 =	sadd.s32 $0x18200, s11;
	s11 =	smax.u32 s14, $0x1;
	s14 =	simm.s32 $0x2  }
.LBB2_1:
0x11: {  	s19 =	simm.s32 @p0 $0x0;
	s20 =	simm.s32 @p0 $0x2  }
0x12: {  	[tilespmem:s19], [sflag:$0x2] =	stream.linear.gather @p0 [hbm4b:s6+s19], $0x1B80, $0x38;
	[tilespmem:$0x1E400] =	vst v63  }
0x13: {  	_ =	swait.ge @p0 [sflag:s20], $0x1B80  }
0x14: {  	[sflag:s20] =	ssyncset.done @p0 $0x0  }
0x15: {  	s21 =	simm.s32 @p0 $0x3400;
	[sflag:s20] =	ssyncadd.s32 @p0 $0xFFFFE480  }
0x16: {  	[tilespmem:s21], [sflag:$0x2] =	stream.linear.gather @p0 [hbm4b:s7+s19], $0x1B80, $0x38;
	[tilespmem:$0x1E400] =	vst v63  }
0x17: {  	_ =	swait.ge @p0 [sflag:s20], $0x1B80  }
0x18: {  	[sflag:s20] =	ssyncset.done @p0 $0x0  }
0x19: {  	s19 =	simm.s32 @!p0 $0x0;
	[sflag:s20] =	ssyncadd.s32 @p0 $0xFFFFE480;
	s20 =	simm.s32 @!p0 $0x2  }
0x1a: {  	[tilespmem:s19], [sflag:$0x2] =	stream.linear.gather @!p0 [hbm4b:s8+s19], $0x3300, $0x38;
	[tilespmem:$0x1E400] =	vst v63  }
0x1b: {  	_ =	swait.ge @!p0 [sflag:s20], $0x3300  }
0x1c: {  	[sflag:s20] =	ssyncset.done @!p0 $0x0  }
0x1d: {  	s21 =	simm.s32 @!p0 $0x3400;
	[sflag:s20] =	ssyncadd.s32 @!p0 $0xFFFFCD00  }
0x1e: {  	[tilespmem:s21], [sflag:$0x2] =	stream.linear.gather @!p0 [hbm4b:s9+s19], $0x3300, $0x38;
	[tilespmem:$0x1E400] =	vst v63  }
0x1f: {  	_ =	swait.ge @!p0 [sflag:s20], $0x3300  }
0x20: {  	[sflag:s20] =	ssyncset.done @!p0 $0x0  }
0x21: {  	[sflag:s20] =	ssyncadd.s32 @!p0 $0xFFFFCD00  }
0x22: {  	[spmem:s13], [sflag:s12] =	dma.local [hbm:s5], $0x2780  }
0x23: {  	_ =	swait.ge [sflag:s14], $0x2780  }
0x24: {  	[sflag:s14] =	ssyncset.done $0x0  }
0x25: {  	s20 =	simm.s32 @!p0 $0x66;
	[sflag:s14] =	ssyncadd.s32 $0xFFFFD880  }
0x26: {  	s20 =	simm.s32 @p0 $0x37;
	[bflag:$0x0] =	sbarrier.arrive $0xFFFF  }
0x27: {  	[tilespmem:s16], [sflag:$0x1] =	stream.indirect.gather [hbm4b:s2+s15], $0x80, s4, s15, $0xb8;
	[tilespmem:$0x1E400] =	vst v63  }
0x28: {  	p1 =	sne.s32 s20, $0x1;
	_ =	swait.ge [sflag:s17], $0x4000  }
.Ltmp0:
0x29: {  	[sflag:s17] =	ssyncset.done $0x0;
	(pc) =	sbr.rel @!p1 .LBB2_3-.Ltmp0, $4  }
0x2a: {  	s19 =	simm.s32 $0x3400;
	[sflag:s17] =	ssyncadd.s32 $0xFFFFC000  }
0x2b: {  	[spmem:s3] =	stream.indirect.scatter.add.f32 [tilespmem:s16], [sflag:$0x2], $0x80, s19, s15, $0xb8;
	[tilespmem:$0x1E400] =	vst v63  }
0x2c: {  	_ =	swait.ge [sflag:s14], $0x4000  }
0x2d: {  	s21 =	simm.s32 $0x0;
	s20 =	sadd.s32 $0xFFFFFFFF, s20;
	[sflag:s14] =	ssyncset.done $0x0  }
.LBB2_2:
0x2e: {  	[sflag:s14] =	ssyncadd.s32 $0xFFFFC000;
	s21 =	sadd.s32 $0x80, s21;
	s19 =	sadd.s32 $0x80, s19  }
0x2f: {  	[tilespmem:s16], [sflag:$0x1] =	stream.indirect.gather [hbm4b:s2+s15], $0x80, s21, s15, $0xb8;
	[tilespmem:$0x1E400] =	vst v63  }
0x30: {  	p1 =	sne.s32 s20, $0x1;
	s20 =	sadd.s32 $0xFFFFFFFF, s20;
	_ =	swait.ge [sflag:s17], $0x4000  }
.Ltmp1:
0x31: {  	[sflag:s17] =	ssyncset.done $0x0;
	(pc) =	sbr.rel @p1 .LBB2_2-.Ltmp1, $4  }
0x32: {  	[sflag:s17] =	ssyncadd.s32 $0xFFFFC000  }
0x33: {  	[spmem:s3] =	stream.indirect.scatter.add.f32 [tilespmem:s16], [sflag:$0x2], $0x80, s19, s15, $0xb8;
	[tilespmem:$0x1E400] =	vst v63  }
0x34: {  	_ =	swait.ge [sflag:s14], $0x4000  }
0x35: {  	[sflag:s14] =	ssyncset.done $0x0  }
.LBB2_3:
0x36: {  	s18 =	sadd.s32 $0x1, s18  }
0x37: {  	[sflag:s14] =	ssyncadd.s32 $0xFFFFC000;
	p1 =	sne.s32 s18, s11  }
.Ltmp2:
0x38: {  	[bflag:$0x0] =	sbarrier.arrive $0xFFFF;
	(pc) =	sbr.rel @p1 .LBB2_1-.Ltmp2, $4  }
0x39: {  	[hbm:s10], [sflag:s12] =	dma.local [spmem:s13], $0x2780  }
0x3a: {  	_ =	swait.ge [sflag:s14], $0x2780  }
0x3b: {  	[sflag:s14] =	ssyncset.done $0x0  }
0x3c: {  	[sflag:s14] =	ssyncadd.s32 $0xFFFFD880  }
0x3d: {  	_ =	sfence.sel $0x180000  }
0x3e: {  	[bflag:$0x0] =	sbarrier.arrive $0xFFFF  }
0x3f: {  	p0 =	sne.s32 s1, $0x0;
	_ =	strace $0x9000004A  }
0x40: {  	s0 =	sadd.s32 @!p0 $0x100000, s0;
	[bflag:$0x2] =	sbarrier.arrive $0xFFFF  }
0x41: {  	[sflag:s0] =	ssyncadd.tile.s32 @!p0 $0x1;
	_ =	shalt  }
.Lfunc_end2:
_tile_overlayer_lowered:
.L_overlay_start_2:
0x42: {  	(tag) =	ssettag $0x2  }
0x43: {  	s0 =	rddreg [dreg:$0x0];
	s2 =	stileid.u32  }
0x44: {  	s1 =	rddreg [dreg:$0x1];
	p0 =	sne.s32 s2, $0x0  }
0x45: {  	s3 =	rddreg [dreg:$0x2];
	[bflag:$0x3] =	sbarrier.arrive $0xFFFF;
	s2 =	simm.s32 @!p0 $0x1C02  }
0x46: {  	[timem:s3], [sflag:s2] =	dma.local @!p0 [hbm:s0], s1  }
0x47: {  	s0 =	simm.s32 @!p0 $0x2  }
0x48: {  	_ =	swait.ge @!p0 [sflag:s0], s1  }
0x49: {  	s1 =	ssub.s32 @!p0 $0x0, s1;
	[sflag:s0] =	ssyncset.done @!p0 $0x0  }
0x4a: {  	[sflag:s0] =	ssyncadd.s32 @!p0 s1  }
0x4b: {  	[bflag:$0x3] =	sbarrier.arrive $0xFFFF  }
0x4c: {  	_ =	shalt  }

</sc_bundles>
